<compile_context>
chip_gen: v7x
topology: tpu7x:2x2x1
jax: 0.10.2.dev20260603
libtpu: 0.0.44.dev20260713+nightly
codegen_flags: <defaults>
</compile_context>

<pallas_src>
import functools

import jax
import jax.numpy as jnp
from jax import lax
from jax.experimental import pallas as pl
from jax.experimental.pallas import tpu as pltpu
from jax.experimental.pallas import tpu_sc as plsc

B = 4096
L = 200
V = 100000
D = 16
NS = 25
ND = 13

_NC = 2
_NSC = 16
_NW = _NC * _NSC

_G = 128
_SEQ_ROWS = B * L // _G
_SEQ_PW = _SEQ_ROWS // _NW
_KH = 4
_BPW = B // _NW
_F = NS * D

_NEG = -2.0 ** 32 + 1


def _sc_seq_half_body(nri, with_item, seq_tbl, seq_idx3, item_idx,
                      seq_out, item_out, idx_all, rows_s, idx_i, rows_i, sem):
    wid = lax.axis_index("s") * _NC + lax.axis_index("c")
    hpw = nri // _NW
    pltpu.sync_copy(seq_idx3.at[wid], idx_all)

    def seq_step(i, carry):
        cps = [pltpu.async_copy(seq_tbl.at[idx_all.at[i * _KH + j]],
                                rows_s.at[pl.ds(j * _G, _G)], sem)
               for j in range(_KH)]
        for c in cps:
            c.wait()
        pltpu.sync_copy(
            rows_s, seq_out.at[pl.ds((wid * hpw + i * _KH) * _G, _KH * _G)])
        return carry

    lax.fori_loop(0, hpw // _KH, seq_step, 0)

    if with_item:
        pltpu.sync_copy(item_idx.at[wid], idx_i)
        pltpu.async_copy(seq_tbl.at[idx_i.at[0]], rows_i, sem).wait()
        pltpu.sync_copy(rows_i, item_out.at[pl.ds(wid * _G, _G)])


def _sc_sp_body(tbl1d, eidx, sp_out, idx_v, vals_v, sem):
    wid = lax.axis_index("s") * _NC + lax.axis_index("c")
    base = wid * _BPW
    pltpu.sync_copy(eidx.at[pl.ds(base, _BPW)], idx_v)

    def step(i, carry):
        cps = [pltpu.async_copy(tbl1d.at[idx_v.at[i * 16 + u]],
                                vals_v.at[i * 16 + u], sem)
               for u in range(16)]
        for c in cps:
            c.wait()
        return carry

    lax.fori_loop(0, _BPW // 16, step, 0)
    pltpu.sync_copy(vals_v, sp_out.at[pl.ds(base, _BPW)])


@functools.cache
def _build_sc_seq(nri, with_item):
    hpw = nri // _NW
    out_type = [jax.ShapeDtypeStruct((nri * _G, D), jnp.float32)]
    if with_item:
        out_type.append(jax.ShapeDtypeStruct((B, D), jnp.float32))
    body = functools.partial(_sc_seq_half_body, nri, with_item)
    if not with_item:
        def body(seq_tbl, seq_idx3, item_idx, seq_out,
                 idx_all, rows_s, idx_i, rows_i, sem):
            return _sc_seq_half_body(nri, False, seq_tbl, seq_idx3, item_idx,
                                     seq_out, None, idx_all, rows_s, idx_i,
                                     rows_i, sem)
    return pl.kernel(
        body,
        out_type=tuple(out_type),
        mesh=plsc.VectorSubcoreMesh(core_axis_name="c", subcore_axis_name="s",
                                    num_cores=_NC, num_subcores=_NSC),
        compiler_params=pltpu.CompilerParams(use_tc_tiling_on_sc=False),
        scratch_types=[
            pltpu.VMEM((hpw, _G), jnp.int32),
            pltpu.VMEM((_KH * _G, D), jnp.float32),
            pltpu.VMEM((1, _G), jnp.int32),
            pltpu.VMEM((_G, D), jnp.float32),
            pltpu.SemaphoreType.DMA,
        ],
    )


@functools.cache
def _build_sc_sp():
    return pl.kernel(
        _sc_sp_body,
        out_type=jax.ShapeDtypeStruct((B, _F), jnp.float32),
        mesh=plsc.VectorSubcoreMesh(core_axis_name="c", subcore_axis_name="s",
                                    num_cores=_NC, num_subcores=_NSC),
        compiler_params=pltpu.CompilerParams(use_tc_tiling_on_sc=False),
        scratch_types=[
            pltpu.VMEM((_BPW, _F), jnp.int32),
            pltpu.VMEM((_BPW, _F), jnp.float32),
            pltpu.SemaphoreType.DMA,
        ],
    )


_TB = 128
_M = _TB * L
_MP = _M // 8
_RPB = L // 8
_IR = _M // _G


def _prelu(x, a):
    return jnp.where(x > 0, x, a * x)


def _tc_att_body(seq_ref, ids_ref, it_ref,
                 wq_ref, b1_ref, t16_ref, t80_ref, wk8_ref, wqk8_ref, a1_ref,
                 w28_ref, b2_ref, a2_ref, wo8_ref, bo_ref,
                 r25_ref, r25f_ref, r16_ref, r25b_ref, sel_ref, coll_ref, ones8_ref,
                 rep_ref, fold_ref,
                 user_ref):
    f32 = jnp.float32
    bf16 = jnp.bfloat16
    dot = functools.partial(jnp.dot, preferred_element_type=f32)
    it = it_ref[...]
    k8 = seq_ref[...]
    A = dot(it, wq_ref[...]) + b1_ref[...]
    Aq = jnp.concatenate([dot(A, t80_ref[...]),
                          dot(it, t16_ref[...])], axis=1)
    Aq8 = dot(r25_ref[...], Aq.astype(bf16))
    A8 = Aq8[:, :640]
    q8 = Aq8[:, 640:]
    kb = k8.astype(bf16)
    pre1 = (A8 + dot(kb, wk8_ref[...])
            + dot((q8 * k8).astype(bf16), wqk8_ref[...]))
    h1 = _prelu(pre1, a1_ref[...])
    h2 = _prelu(dot(h1.astype(bf16), w28_ref[...]) + b2_ref[...],
                a2_ref[...])
    lg = dot(h2.astype(bf16), wo8_ref[...]) + bo_ref[...]
    mf = jnp.where(ids_ref[...] == 0, f32(_NEG), f32(0.0))
    mf = dot(r16_ref[...], mf)
    lg = lg + dot(sel_ref[...] * mf, coll_ref[...])
    mx25 = jnp.max(lg.reshape(_TB, _RPB, 8), axis=1)
    for s in (4, 2, 1):
        mx25 = jnp.maximum(mx25, pltpu.roll(mx25, s, 1))
    E8 = jnp.exp(lg - dot(r25f_ref[...], mx25))
    denom = dot(r25b_ref[...], dot(E8, ones8_ref[...]))
    E128 = dot(E8, rep_ref[...])
    numer = dot(dot(r25b_ref[...], E128 * k8), fold_ref[...])
    user_ref[...] = numer / denom


def _tc_ffn_body(user_ref, it_ref, dn_ref, sp_ref,
                 fwu_ref, fwi_ref, fwd_ref, fws_ref, fb1_ref, fa1_ref,
                 fw2_ref, fb2_ref, fa2_ref, fwo_ref, fbo_ref,
                 out_ref):
    f32 = jnp.float32
    dot = functools.partial(jnp.dot, preferred_element_type=f32)
    z = (dot(user_ref[...], fwu_ref[...]) + dot(it_ref[...], fwi_ref[...])
         + dot(dn_ref[...], fwd_ref[...]) + dot(sp_ref[...], fws_ref[...])
         + fb1_ref[...])
    g1 = _prelu(z, fa1_ref[...])
    g2 = _prelu(dot(g1, fw2_ref[...]) + fb2_ref[...], fa2_ref[...])
    y = dot(g2, fwo_ref[...]) + fbo_ref[...]
    out_ref[...] = jax.nn.sigmoid(y)


def _full(shape):
    return pl.BlockSpec(shape, lambda i: (0,) * len(shape))


def kernel(dense_inputs, sparse_inputs, seq_inputs, item_inputs, embed_sparse,
           embed_seq, att_W1, att_b1, att_a1, att_W2, att_b2, att_a2,
           att_Wout, att_bout, bn_gamma, bn_beta, ffn_W1, ffn_b1, ffn_a1,
           ffn_W2, ffn_b2, ffn_a2, Wout, bout):
    f32 = jnp.float32
    i32 = jnp.int32
    seq_idx = seq_inputs.astype(i32).reshape(_SEQ_ROWS, _G)
    item_idx = item_inputs.astype(i32).reshape(_NW, 1, _G)

    spT1d = embed_sparse.transpose(0, 2, 1).reshape(NS * D * V)
    off = (jnp.arange(NS, dtype=i32)[:, None] * (D * V)
           + jnp.arange(D, dtype=i32)[None, :] * V)
    eidx = (sparse_inputs.astype(i32)[:, :, None]
            + off[None, :, :]).reshape(B, _F)

    idx3 = seq_idx.reshape(_NW, _SEQ_PW, _G)
    seq_h, item_g = _build_sc_seq(_SEQ_ROWS, True)(embed_seq, idx3, item_idx)
    sp_g = _build_sc_sp()(spT1d, eidx)

    grid = B // _TB
    seq_g = seq_h.reshape(B * L * D // _G, _G)

    w1a, w1b, w1c, w1d = (att_W1[0:D], att_W1[D:2 * D],
                          att_W1[2 * D:3 * D], att_W1[3 * D:4 * D])
    wq = w1a + w1c
    eye8 = jnp.eye(8, dtype=f32)
    eye16 = jnp.eye(16, dtype=f32)
    bf16 = jnp.bfloat16
    wk8 = jnp.kron(eye8, w1b - w1c).astype(bf16)
    wqk8 = jnp.kron(eye8, w1d).astype(bf16)
    w28 = jnp.kron(eye8, att_W2).astype(bf16)
    wo8 = jnp.kron(eye8, att_Wout).astype(bf16)
    t16 = jnp.tile(eye16, (1, 8))
    t80 = jnp.tile(jnp.eye(80, dtype=f32), (1, 8))
    rep = jnp.repeat(eye8, 16, axis=1)
    fold = jnp.tile(eye16, (8, 1))
    coll = jnp.tile(eye8, (16, 1))
    tile8 = lambda v: jnp.tile(v, 8).reshape(1, -1).astype(f32)

    rr = jnp.arange(_MP, dtype=i32)
    r25f = (rr[:, None] // _RPB == jnp.arange(_TB, dtype=i32)[None, :]
            ).astype(f32)
    r25 = r25f.astype(bf16)
    r16 = (rr[:, None] // 16 == jnp.arange(_IR, dtype=i32)[None, :]
           ).astype(f32)
    r25b = r25f.T
    sel = (jnp.arange(_G, dtype=i32)[None, :] // 8 == rr[:, None] % 16
           ).astype(f32)

    wbn = ffn_W1 * bn_gamma[:, None]
    fwu = wbn[0:D]
    fwi = wbn[D:2 * D]
    fwd = wbn[2 * D:2 * D + ND]
    fws = wbn[2 * D + ND:]
    fb1 = (ffn_b1 + bn_beta @ ffn_W1).reshape(1, 80)
    row = lambda v: v.reshape(1, -1).astype(f32)

    def att_half(seq_gh, off):
        return pl.pallas_call(
            _tc_att_body,
            grid=(grid,),
            in_specs=[
                pl.BlockSpec((_M * D // _G, _G), lambda i: (i, 0)),
                pl.BlockSpec((_IR, _G), lambda i, o=off: (i + o, 0)),
                pl.BlockSpec((_TB, D), lambda i, o=off: (i + o, 0)),
                _full((D, 80)), _full((1, 80)), _full((D, _G)),
                _full((80, 640)),
                _full((_G, 640)), _full((_G, 640)), _full((1, 640)),
                _full((640, 320)), _full((1, 320)), _full((1, 320)),
                _full((320, 8)), _full((1, 8)),
                _full((_MP, _TB)), _full((_MP, _TB)), _full((_MP, _IR)),
                _full((_TB, _MP)),
                _full((_MP, _G)), _full((_G, 8)), _full((8, 1)),
                _full((8, _G)), _full((_G, D)),
            ],
            out_specs=pl.BlockSpec((_TB, D), lambda i: (i, 0)),
            out_shape=jax.ShapeDtypeStruct((B, D), f32),
        )(seq_gh, seq_idx, item_g,
          wq, row(att_b1), t16, t80, wk8, wqk8, tile8(att_a1),
          w28, tile8(att_b2), tile8(att_a2), wo8, tile8(att_bout),
          r25, r25f, r16, r25b, sel, coll, jnp.ones((8, 1), f32),
          rep, fold)

    user = att_half(seq_g, 0)

    out = pl.pallas_call(
        _tc_ffn_body,
        grid=(grid,),
        in_specs=[
            pl.BlockSpec((_TB, D), lambda i: (i, 0)),
            pl.BlockSpec((_TB, D), lambda i: (i, 0)),
            pl.BlockSpec((_TB, ND), lambda i: (i, 0)),
            pl.BlockSpec((_TB, _F), lambda i: (i, 0)),
            _full((D, 80)), _full((D, 80)), _full((ND, 80)),
            _full((_F, 80)), _full((1, 80)), _full((1, 80)),
            _full((80, 40)), _full((1, 40)), _full((1, 40)),
            _full((40, 1)), _full((1, 1)),
        ],
        out_specs=pl.BlockSpec((_TB, 1), lambda i: (i, 0)),
        out_shape=jax.ShapeDtypeStruct((B, 1), f32),
    )(user, item_g, dense_inputs, sp_g,
      fwu, fwi, fwd, fws, fb1, row(ffn_a1),
      ffn_W2, row(ffn_b2), row(ffn_a2), Wout, row(bout))
    return out

# --- scband reference (transcript-rebuilt; emitter-appended) ---
"""Pipeline reference for scband-din-55173149884770 (READ-ONLY COPY).

The authoritative reference and input builder live on the scoring server;
editing this copy changes nothing except your own understanding.
"""

import jax, jax.numpy as jnp
import numpy as np

B = 4096; L = 200; V = 100000; D = 16; NS = 25; ND = 13
AIN = 4 * D
FIN = D + D + ND + NS * D


def prelu(x, a):
    return jnp.where(x > 0, x, a * x)


def setup_inputs(seed: int = 0):
    key = jax.random.key(seed)
    ks = jax.random.split(key, 16)
    inp = {}
    inp["dense_inputs"] = jax.random.normal(ks[0], (B, ND), dtype=jnp.float32)
    inp["sparse_inputs"] = jax.random.randint(ks[1], (B, NS), 0, V)
    inp["seq_inputs"] = jax.random.randint(ks[2], (B, L, 1), 0, V)
    inp["item_inputs"] = jax.random.randint(ks[3], (B, 1), 0, V)
    inp["embed_sparse"] = jax.random.normal(ks[4], (NS, V, D), dtype=jnp.float32) * 0.05
    inp["embed_seq"] = jax.random.normal(ks[5], (V, D), dtype=jnp.float32) * 0.05
    inp["att_W1"] = jax.random.normal(ks[6], (AIN, 80), dtype=jnp.float32) * 0.1
    inp["att_b1"] = jnp.zeros((80,), jnp.float32)
    inp["att_a1"] = jnp.full((80,), 0.25, jnp.float32)
    inp["att_W2"] = jax.random.normal(ks[7], (80, 40), dtype=jnp.float32) * 0.1
    inp["att_b2"] = jnp.zeros((40,), jnp.float32)
    inp["att_a2"] = jnp.full((40,), 0.25, jnp.float32)
    inp["att_Wout"] = jax.random.normal(ks[8], (40, 1), dtype=jnp.float32) * 0.1
    inp["att_bout"] = jnp.zeros((1,), jnp.float32)
    inp["bn_gamma"] = jnp.ones((FIN,), jnp.float32)
    inp["bn_beta"] = jnp.zeros((FIN,), jnp.float32)
    inp["ffn_W1"] = jax.random.normal(ks[9], (FIN, 80), dtype=jnp.float32) * 0.05
    inp["ffn_b1"] = jnp.zeros((80,), jnp.float32)
    inp["ffn_a1"] = jnp.full((80,), 0.25, jnp.float32)
    inp["ffn_W2"] = jax.random.normal(ks[10], (80, 40), dtype=jnp.float32) * 0.1
    inp["ffn_b2"] = jnp.zeros((40,), jnp.float32)
    inp["ffn_a2"] = jnp.full((40,), 0.25, jnp.float32)
    inp["Wout"] = jax.random.normal(ks[11], (40, 1), dtype=jnp.float32) * 0.1
    inp["bout"] = jnp.zeros((1,), jnp.float32)
    return inp


def reference(dense_inputs, sparse_inputs, seq_inputs, item_inputs, embed_sparse, embed_seq,
              att_W1, att_b1, att_a1, att_W2, att_b2, att_a2, att_Wout, att_bout,
              bn_gamma, bn_beta, ffn_W1, ffn_b1, ffn_a1, ffn_W2, ffn_b2, ffn_a2, Wout, bout):
    mask = (seq_inputs[:, :, 0] != 0).astype(jnp.float32)
    # other (non-behavior) sparse embeddings, one table per field
    g = jax.vmap(lambda tbl, idx: jnp.take(tbl, idx, axis=0), in_axes=(0, 1))(embed_sparse, sparse_inputs)  # [NS, B, D]
    other_info = jnp.concatenate([dense_inputs, jnp.transpose(g, (1, 0, 2)).reshape(dense_inputs.shape[0], -1)], axis=-1)
    # behavior sequence + candidate item embeddings (shared table)
    seq_embed = jnp.take(embed_seq, seq_inputs[:, :, 0], axis=0)   # [B, L, D]
    item_embed = jnp.take(embed_seq, item_inputs[:, 0], axis=0)    # [B, D]
    # DIN attention: info = [q, k, q-k, q*k] -> MLP -> masked softmax -> weighted sum of v
    q = jnp.broadcast_to(item_embed[:, None, :], seq_embed.shape)
    info = jnp.concatenate([q, seq_embed, q - seq_embed, q * seq_embed], axis=-1)
    h = prelu(info @ att_W1 + att_b1, att_a1)
    h = prelu(h @ att_W2 + att_b2, att_a2)
    logits = (h @ att_Wout + att_bout)[..., 0]
    logits = jnp.where(mask == 0.0, jnp.float32(-2.0 ** 32 + 1), logits)
    w = jax.nn.softmax(logits, axis=-1)
    user_info = jnp.einsum('bl,bld->bd', w, seq_embed)
    # concat all, batchnorm (inference mode), FFN, sigmoid head
    info_all = jnp.concatenate([user_info, item_embed, other_info], axis=-1)
    info_all = info_all * bn_gamma + bn_beta
    h2 = prelu(info_all @ ffn_W1 + ffn_b1, ffn_a1)
    h2 = prelu(h2 @ ffn_W2 + ffn_b2, ffn_a2)
    out = jax.nn.sigmoid(h2 @ Wout + bout)
    return out

if __name__ == "__main__":
    import jax
    _d = setup_inputs()
    print(jax.jit(kernel)(*tuple(_d.values())))

</pallas_src>

<mosaic_0001>
#map = affine_map<(d0, d1) -> (0)>
#map1 = affine_map<(d0, d1) -> (0, 0)>
module attributes {stable_mosaic.version = 14 : i64} {
  func.func @_sc_sp_body(%arg0: i32, %arg1: i32, %arg2: memref<40000000xf32, #tpu.memory_space<hbm>>, %arg3: memref<4096x400xi32, #tpu.memory_space<hbm>>, %arg4: memref<4096x400xf32, #tpu.memory_space<hbm>>, %arg5: memref<128x400xi32, #tpu.memory_space<vmem>>, %arg6: memref<128x400xf32, #tpu.memory_space<vmem>>, %arg7: memref<!tpu.dma_semaphore, #tpu.memory_space<semaphore_mem>>) attributes {dimension_semantics = [#tpu.dimension_semantics<core_parallel>, #tpu.dimension_semantics<subcore_parallel>], iteration_bounds = array<i64: 2, 16>, scalar_prefetch = 0 : i64, scratch_operands = 3 : i64, tpu.core_type = #tpu.core_type<sc_vector_subcore>, window_params = [{transform_indices = #map}, {transform_indices = #map1}, {transform_indices = #map1}]} {
    %mul3A = arith.constant 2 : i32
    %mul3A_0 = arith.muli %arg1, %mul3A : i32
    %add3A = arith.addi %mul3A_0, %arg0 : i32
    %mul3A_1 = arith.constant 128 : i32
    %mul3A_2 = arith.muli %add3A, %mul3A_1 : i32
    "tpu.region"() ({
      %run_scoped3A = tpu.sem_alloc : memref<!tpu.dma_semaphore, #tpu.memory_space<semaphore_mem>>
      %dma_start3A = arith.constant 0 : i32
      %dma_start3A_8 = tpu.memref_slice %arg3[%mul3A_2, %dma_start3A] : memref<4096x400xi32, #tpu.memory_space<hbm>> -> memref<128x400xi32, #tpu.memory_space<hbm>>
      %dma_start3A_9 = arith.constant 0 : i32
      %dma_start3A_10 = tpu.memref_slice %arg3[%mul3A_2, %dma_start3A_9] : memref<4096x400xi32, #tpu.memory_space<hbm>> -> memref<128x400xi32, #tpu.memory_space<hbm>>
      tpu.enqueue_dma source(%dma_start3A_10 : memref<128x400xi32, #tpu.memory_space<hbm>>) target(%arg5 : memref<128x400xi32, #tpu.memory_space<vmem>>) target_semaphore(%run_scoped3A : memref<!tpu.dma_semaphore, #tpu.memory_space<semaphore_mem>>)
      %dma_wait3A = arith.constant 0 : i32
      %dma_wait3A_11 = tpu.memref_slice %arg3[%mul3A_2, %dma_wait3A] : memref<4096x400xi32, #tpu.memory_space<hbm>> -> memref<128x400xi32, #tpu.memory_space<hbm>>
      %dma_wait3A_12 = arith.constant 0 : i32
      %dma_wait3A_13 = tpu.memref_slice %arg3[%mul3A_2, %dma_wait3A_12] : memref<4096x400xi32, #tpu.memory_space<hbm>> -> memref<128x400xi32, #tpu.memory_space<hbm>>
      tpu.wait_dma2 semaphore(%run_scoped3A : memref<!tpu.dma_semaphore, #tpu.memory_space<semaphore_mem>>) src(%dma_wait3A_13 : memref<128x400xi32, #tpu.memory_space<hbm>>) dst(%arg5 : memref<128x400xi32, #tpu.memory_space<vmem>>)
      tpu.yield
    }) : () -> ()
    %scan3A = arith.constant 0 : i32
    %scan3A_3 = arith.constant 0 : i32
    %scan3A_4 = arith.constant 8 : i32
    %scan3A_5 = arith.addi %scan3A_3, %scan3A_4 : i32
    %scan3A_6 = arith.constant 1 : i32
    scf.for %scan3A_8 = %scan3A_3 to %scan3A_5 step %scan3A_6  : i32 {
      %mul3A_9 = arith.constant 16 : i32
      %mul3A_10 = arith.muli %scan3A_8, %mul3A_9 : i32
      %add3A_11 = arith.constant 0 : i32
      %add3A_12 = arith.addi %mul3A_10, %add3A_11 : i32
      %mul3A_13 = arith.constant 16 : i32
      %mul3A_14 = arith.muli %scan3A_8, %mul3A_13 : i32
      %add3A_15 = arith.constant 0 : i32
      %add3A_16 = arith.addi %mul3A_14, %add3A_15 : i32
      %dma_start3A = arith.constant 0 : i32
      %dma_start3A_17 = tpu.memref_slice %arg6[%add3A_16, %dma_start3A] : memref<128x400xf32, #tpu.memory_space<vmem>> -> memref<1x400xf32, #tpu.memory_space<vmem>>
      %dma_start3A_18 = tpu.memref_squeeze %dma_start3A_17 : memref<1x400xf32, #tpu.memory_space<vmem>> -> memref<400xf32, #tpu.memory_space<vmem>>
      %dma_start3A_19 = arith.constant 0 : i32
      %dma_start3A_20 = tpu.memref_slice %arg5[%add3A_12, %dma_start3A_19] : memref<128x400xi32, #tpu.memory_space<vmem>> -> memref<1x400xi32, #tpu.memory_space<vmem>>
      %dma_start3A_21 = tpu.memref_squeeze %dma_start3A_20 : memref<1x400xi32, #tpu.memory_space<vmem>> -> memref<400xi32, #tpu.memory_space<vmem>>
      %dma_start3A_22 = arith.constant 0 : i32
      %dma_start3A_23 = tpu.memref_slice %arg2[%dma_start3A_22] : memref<40000000xf32, #tpu.memory_space<hbm>> -> memref<40000000xf32, #tpu.memory_space<hbm>>
      tpu.enqueue_indirect_dma source(%dma_start3A_23 : memref<40000000xf32, #tpu.memory_space<hbm>>) target(%dma_start3A_18 : memref<400xf32, #tpu.memory_space<vmem>>) offsets(%dma_start3A_21 : memref<400xi32, #tpu.memory_space<vmem>>) semaphore(%arg7 : memref<!tpu.dma_semaphore, #tpu.memory_space<semaphore_mem>>)
      %mul3A_24 = arith.constant 16 : i32
      %mul3A_25 = arith.muli %scan3A_8, %mul3A_24 : i32
      %add3A_26 = arith.constant 1 : i32
      %add3A_27 = arith.addi %mul3A_25, %add3A_26 : i32
      %mul3A_28 = arith.constant 16 : i32
      %mul3A_29 = arith.muli %scan3A_8, %mul3A_28 : i32
      %add3A_30 = arith.constant 1 : i32
      %add3A_31 = arith.addi %mul3A_29, %add3A_30 : i32
      %dma_start3A_32 = arith.constant 0 : i32
      %dma_start3A_33 = tpu.memref_slice %arg6[%add3A_31, %dma_start3A_32] : memref<128x400xf32, #tpu.memory_space<vmem>> -> memref<1x400xf32, #tpu.memory_space<vmem>>
      %dma_start3A_34 = tpu.memref_squeeze %dma_start3A_33 : memref<1x400xf32, #tpu.memory_space<vmem>> -> memref<400xf32, #tpu.memory_space<vmem>>
      %dma_start3A_35 = arith.constant 0 : i32
      %dma_start3A_36 = tpu.memref_slice %arg5[%add3A_27, %dma_start3A_35] : memref<128x400xi32, #tpu.memory_space<vmem>> -> memref<1x400xi32, #tpu.memory_space<vmem>>
      %dma_start3A_37 = tpu.memref_squeeze %dma_start3A_36 : memref<1x400xi32, #tpu.memory_space<vmem>> -> memref<400xi32, #tpu.memory_space<vmem>>
      %dma_start3A_38 = arith.constant 0 : i32
      %dma_start3A_39 = tpu.memref_slice %arg2[%dma_start3A_38] : memref<40000000xf32, #tpu.memory_space<hbm>> -> memref<40000000xf32, #tpu.memory_space<hbm>>
      tpu.enqueue_indirect_dma source(%dma_start3A_39 : memref<40000000xf32, #tpu.memory_space<hbm>>) target(%dma_start3A_34 : memref<400xf32, #tpu.memory_space<vmem>>) offsets(%dma_start3A_37 : memref<400xi32, #tpu.memory_space<vmem>>) semaphore(%arg7 : memref<!tpu.dma_semaphore, #tpu.memory_space<semaphore_mem>>)
      %mul3A_40 = arith.constant 16 : i32
      %mul3A_41 = arith.muli %scan3A_8, %mul3A_40 : i32
      %add3A_42 = arith.constant 2 : i32
      %add3A_43 = arith.addi %mul3A_41, %add3A_42 : i32
      %mul3A_44 = arith.constant 16 : i32
      %mul3A_45 = arith.muli %scan3A_8, %mul3A_44 : i32
      %add3A_46 = arith.constant 2 : i32
      %add3A_47 = arith.addi %mul3A_45, %add3A_46 : i32
      %dma_start3A_48 = arith.constant 0 : i32
      %dma_start3A_49 = tpu.memref_slice %arg6[%add3A_47, %dma_start3A_48] : memref<128x400xf32, #tpu.memory_space<vmem>> -> memref<1x400xf32, #tpu.memory_space<vmem>>
      %dma_start3A_50 = tpu.memref_squeeze %dma_start3A_49 : memref<1x400xf32, #tpu.memory_space<vmem>> -> memref<400xf32, #tpu.memory_space<vmem>>
      %dma_start3A_51 = arith.constant 0 : i32
      %dma_start3A_52 = tpu.memref_slice %arg5[%add3A_43, %dma_start3A_51] : memref<128x400xi32, #tpu.memory_space<vmem>> -> memref<1x400xi32, #tpu.memory_space<vmem>>
      %dma_start3A_53 = tpu.memref_squeeze %dma_start3A_52 : memref<1x400xi32, #tpu.memory_space<vmem>> -> memref<400xi32, #tpu.memory_space<vmem>>
      %dma_start3A_54 = arith.constant 0 : i32
      %dma_start3A_55 = tpu.memref_slice %arg2[%dma_start3A_54] : memref<40000000xf32, #tpu.memory_space<hbm>> -> memref<40000000xf32, #tpu.memory_space<hbm>>
      tpu.enqueue_indirect_dma source(%dma_start3A_55 : memref<40000000xf32, #tpu.memory_space<hbm>>) target(%dma_start3A_50 : memref<400xf32, #tpu.memory_space<vmem>>) offsets(%dma_start3A_53 : memref<400xi32, #tpu.memory_space<vmem>>) semaphore(%arg7 : memref<!tpu.dma_semaphore, #tpu.memory_space<semaphore_mem>>)
      %mul3A_56 = arith.constant 16 : i32
      %mul3A_57 = arith.muli %scan3A_8, %mul3A_56 : i32
      %add3A_58 = arith.constant 3 : i32
      %add3A_59 = arith.addi %mul3A_57, %add3A_58 : i32
      %mul3A_60 = arith.constant 16 : i32
      %mul3A_61 = arith.muli %scan3A_8, %mul3A_60 : i32
      %add3A_62 = arith.constant 3 : i32
      %add3A_63 = arith.addi %mul3A_61, %add3A_62 : i32
      %dma_start3A_64 = arith.constant 0 : i32
      %dma_start3A_65 = tpu.memref_slice %arg6[%add3A_63, %dma_start3A_64] : memref<128x400xf32, #tpu.memory_space<vmem>> -> memref<1x400xf32, #tpu.memory_space<vmem>>
      %dma_start3A_66 = tpu.memref_squeeze %dma_start3A_65 : memref<1x400xf32, #tpu.memory_space<vmem>> -> memref<400xf32, #tpu.memory_space<vmem>>
      %dma_start3A_67 = arith.constant 0 : i32
      %dma_start3A_68 = tpu.memref_slice %arg5[%add3A_59, %dma_start3A_67] : memref<128x400xi32, #tpu.memory_space<vmem>> -> memref<1x400xi32, #tpu.memory_space<vmem>>
      %dma_start3A_69 = tpu.memref_squeeze %dma_start3A_68 : memref<1x400xi32, #tpu.memory_space<vmem>> -> memref<400xi32, #tpu.memory_space<vmem>>
      %dma_start3A_70 = arith.constant 0 : i32
      %dma_start3A_71 = tpu.memref_slice %arg2[%dma_start3A_70] : memref<40000000xf32, #tpu.memory_space<hbm>> -> memref<40000000xf32, #tpu.memory_space<hbm>>
      tpu.enqueue_indirect_dma source(%dma_start3A_71 : memref<40000000xf32, #tpu.memory_space<hbm>>) target(%dma_start3A_66 : memref<400xf32, #tpu.memory_space<vmem>>) offsets(%dma_start3A_69 : memref<400xi32, #tpu.memory_space<vmem>>) semaphore(%arg7 : memref<!tpu.dma_semaphore, #tpu.memory_space<semaphore_mem>>)
      %mul3A_72 = arith.constant 16 : i32
      %mul3A_73 = arith.muli %scan3A_8, %mul3A_72 : i32
      %add3A_74 = arith.constant 4 : i32
      %add3A_75 = arith.addi %mul3A_73, %add3A_74 : i32
      %mul3A_76 = arith.constant 16 : i32
      %mul3A_77 = arith.muli %scan3A_8, %mul3A_76 : i32
      %add3A_78 = arith.constant 4 : i32
      %add3A_79 = arith.addi %mul3A_77, %add3A_78 : i32
      %dma_start3A_80 = arith.constant 0 : i32
      %dma_start3A_81 = tpu.memref_slice %arg6[%add3A_79, %dma_start3A_80] : memref<128x400xf32, #tpu.memory_space<vmem>> -> memref<1x400xf32, #tpu.memory_space<vmem>>
      %dma_start3A_82 = tpu.memref_squeeze %dma_start3A_81 : memref<1x400xf32, #tpu.memory_space<vmem>> -> memref<400xf32, #tpu.memory_space<vmem>>
      %dma_start3A_83 = arith.constant 0 : i32
      %dma_start3A_84 = tpu.memref_slice %arg5[%add3A_75, %dma_start3A_83] : memref<128x400xi32, #tpu.memory_space<vmem>> -> memref<1x400xi32, #tpu.memory_space<vmem>>
      %dma_start3A_85 = tpu.memref_squeeze %dma_start3A_84 : memref<1x400xi32, #tpu.memory_space<vmem>> -> memref<400xi32, #tpu.memory_space<vmem>>
      %dma_start3A_86 = arith.constant 0 : i32
      %dma_start3A_87 = tpu.memref_slice %arg2[%dma_start3A_86] : memref<40000000xf32, #tpu.memory_space<hbm>> -> memref<40000000xf32, #tpu.memory_space<hbm>>
      tpu.enqueue_indirect_dma source(%dma_start3A_87 : memref<40000000xf32, #tpu.memory_space<hbm>>) target(%dma_start3A_82 : memref<400xf32, #tpu.memory_space<vmem>>) offsets(%dma_start3A_85 : memref<400xi32, #tpu.memory_space<vmem>>) semaphore(%arg7 : memref<!tpu.dma_semaphore, #tpu.memory_space<semaphore_mem>>)
      %mul3A_88 = arith.constant 16 : i32
      %mul3A_89 = arith.muli %scan3A_8, %mul3A_88 : i32
      %add3A_90 = arith.constant 5 : i32
      %add3A_91 = arith.addi %mul3A_89, %add3A_90 : i32
      %mul3A_92 = arith.constant 16 : i32
      %mul3A_93 = arith.muli %scan3A_8, %mul3A_92 : i32
      %add3A_94 = arith.constant 5 : i32
      %add3A_95 = arith.addi %mul3A_93, %add3A_94 : i32
      %dma_start3A_96 = arith.constant 0 : i32
      %dma_start3A_97 = tpu.memref_slice %arg6[%add3A_95, %dma_start3A_96] : memref<128x400xf32, #tpu.memory_space<vmem>> -> memref<1x400xf32, #tpu.memory_space<vmem>>
      %dma_start3A_98 = tpu.memref_squeeze %dma_start3A_97 : memref<1x400xf32, #tpu.memory_space<vmem>> -> memref<400xf32, #tpu.memory_space<vmem>>
      %dma_start3A_99 = arith.constant 0 : i32
      %dma_start3A_100 = tpu.memref_slice %arg5[%add3A_91, %dma_start3A_99] : memref<128x400xi32, #tpu.memory_space<vmem>> -> memref<1x400xi32, #tpu.memory_space<vmem>>
      %dma_start3A_101 = tpu.memref_squeeze %dma_start3A_100 : memref<1x400xi32, #tpu.memory_space<vmem>> -> memref<400xi32, #tpu.memory_space<vmem>>
      %dma_start3A_102 = arith.constant 0 : i32
      %dma_start3A_103 = tpu.memref_slice %arg2[%dma_start3A_102] : memref<40000000xf32, #tpu.memory_space<hbm>> -> memref<40000000xf32, #tpu.memory_space<hbm>>
      tpu.enqueue_indirect_dma source(%dma_start3A_103 : memref<40000000xf32, #tpu.memory_space<hbm>>) target(%dma_start3A_98 : memref<400xf32, #tpu.memory_space<vmem>>) offsets(%dma_start3A_101 : memref<400xi32, #tpu.memory_space<vmem>>) semaphore(%arg7 : memref<!tpu.dma_semaphore, #tpu.memory_space<semaphore_mem>>)
      %mul3A_104 = arith.constant 16 : i32
      %mul3A_105 = arith.muli %scan3A_8, %mul3A_104 : i32
      %add3A_106 = arith.constant 6 : i32
      %add3A_107 = arith.addi %mul3A_105, %add3A_106 : i32
      %mul3A_108 = arith.constant 16 : i32
      %mul3A_109 = arith.muli %scan3A_8, %mul3A_108 : i32
      %add3A_110 = arith.constant 6 : i32
      %add3A_111 = arith.addi %mul3A_109, %add3A_110 : i32
      %dma_start3A_112 = arith.constant 0 : i32
      %dma_start3A_113 = tpu.memref_slice %arg6[%add3A_111, %dma_start3A_112] : memref<128x400xf32, #tpu.memory_space<vmem>> -> memref<1x400xf32, #tpu.memory_space<vmem>>
      %dma_start3A_114 = tpu.memref_squeeze %dma_start3A_113 : memref<1x400xf32, #tpu.memory_space<vmem>> -> memref<400xf32, #tpu.memory_space<vmem>>
      %dma_start3A_115 = arith.constant 0 : i32
      %dma_start3A_116 = tpu.memref_slice %arg5[%add3A_107, %dma_start3A_115] : memref<128x400xi32, #tpu.memory_space<vmem>> -> memref<1x400xi32, #tpu.memory_space<vmem>>
      %dma_start3A_117 = tpu.memref_squeeze %dma_start3A_116 : memref<1x400xi32, #tpu.memory_space<vmem>> -> memref<400xi32, #tpu.memory_space<vmem>>
      %dma_start3A_118 = arith.constant 0 : i32
      %dma_start3A_119 = tpu.memref_slice %arg2[%dma_start3A_118] : memref<40000000xf32, #tpu.memory_space<hbm>> -> memref<40000000xf32, #tpu.memory_space<hbm>>
      tpu.enqueue_indirect_dma source(%dma_start3A_119 : memref<40000000xf32, #tpu.memory_space<hbm>>) target(%dma_start3A_114 : memref<400xf32, #tpu.memory_space<vmem>>) offsets(%dma_start3A_117 : memref<400xi32, #tpu.memory_space<vmem>>) semaphore(%arg7 : memref<!tpu.dma_semaphore, #tpu.memory_space<semaphore_mem>>)
      %mul3A_120 = arith.constant 16 : i32
      %mul3A_121 = arith.muli %scan3A_8, %mul3A_120 : i32
      %add3A_122 = arith.constant 7 : i32
      %add3A_123 = arith.addi %mul3A_121, %add3A_122 : i32
      %mul3A_124 = arith.constant 16 : i32
      %mul3A_125 = arith.muli %scan3A_8, %mul3A_124 : i32
      %add3A_126 = arith.constant 7 : i32
      %add3A_127 = arith.addi %mul3A_125, %add3A_126 : i32
      %dma_start3A_128 = arith.constant 0 : i32
      %dma_start3A_129 = tpu.memref_slice %arg6[%add3A_127, %dma_start3A_128] : memref<128x400xf32, #tpu.memory_space<vmem>> -> memref<1x400xf32, #tpu.memory_space<vmem>>
      %dma_start3A_130 = tpu.memref_squeeze %dma_start3A_129 : memref<1x400xf32, #tpu.memory_space<vmem>> -> memref<400xf32, #tpu.memory_space<vmem>>
      %dma_start3A_131 = arith.constant 0 : i32
      %dma_start3A_132 = tpu.memref_slice %arg5[%add3A_123, %dma_start3A_131] : memref<128x400xi32, #tpu.memory_space<vmem>> -> memref<1x400xi32, #tpu.memory_space<vmem>>
      %dma_start3A_133 = tpu.memref_squeeze %dma_start3A_132 : memref<1x400xi32, #tpu.memory_space<vmem>> -> memref<400xi32, #tpu.memory_space<vmem>>
      %dma_start3A_134 = arith.constant 0 : i32
      %dma_start3A_135 = tpu.memref_slice %arg2[%dma_start3A_134] : memref<40000000xf32, #tpu.memory_space<hbm>> -> memref<40000000xf32, #tpu.memory_space<hbm>>
      tpu.enqueue_indirect_dma source(%dma_start3A_135 : memref<40000000xf32, #tpu.memory_space<hbm>>) target(%dma_start3A_130 : memref<400xf32, #tpu.memory_space<vmem>>) offsets(%dma_start3A_133 : memref<400xi32, #tpu.memory_space<vmem>>) semaphore(%arg7 : memref<!tpu.dma_semaphore, #tpu.memory_space<semaphore_mem>>)
      %mul3A_136 = arith.constant 16 : i32
      %mul3A_137 = arith.muli %scan3A_8, %mul3A_136 : i32
      %add3A_138 = arith.constant 8 : i32
      %add3A_139 = arith.addi %mul3A_137, %add3A_138 : i32
      %mul3A_140 = arith.constant 16 : i32
      %mul3A_141 = arith.muli %scan3A_8, %mul3A_140 : i32
      %add3A_142 = arith.constant 8 : i32
      %add3A_143 = arith.addi %mul3A_141, %add3A_142 : i32
      %dma_start3A_144 = arith.constant 0 : i32
      %dma_start3A_145 = tpu.memref_slice %arg6[%add3A_143, %dma_start3A_144] : memref<128x400xf32, #tpu.memory_space<vmem>> -> memref<1x400xf32, #tpu.memory_space<vmem>>
      %dma_start3A_146 = tpu.memref_squeeze %dma_start3A_145 : memref<1x400xf32, #tpu.memory_space<vmem>> -> memref<400xf32, #tpu.memory_space<vmem>>
      %dma_start3A_147 = arith.constant 0 : i32
      %dma_start3A_148 = tpu.memref_slice %arg5[%add3A_139, %dma_start3A_147] : memref<128x400xi32, #tpu.memory_space<vmem>> -> memref<1x400xi32, #tpu.memory_space<vmem>>
      %dma_start3A_149 = tpu.memref_squeeze %dma_start3A_148 : memref<1x400xi32, #tpu.memory_space<vmem>> -> memref<400xi32, #tpu.memory_space<vmem>>
      %dma_start3A_150 = arith.constant 0 : i32
      %dma_start3A_151 = tpu.memref_slice %arg2[%dma_start3A_150] : memref<40000000xf32, #tpu.memory_space<hbm>> -> memref<40000000xf32, #tpu.memory_space<hbm>>
      tpu.enqueue_indirect_dma source(%dma_start3A_151 : memref<40000000xf32, #tpu.memory_space<hbm>>) target(%dma_start3A_146 : memref<400xf32, #tpu.memory_space<vmem>>) offsets(%dma_start3A_149 : memref<400xi32, #tpu.memory_space<vmem>>) semaphore(%arg7 : memref<!tpu.dma_semaphore, #tpu.memory_space<semaphore_mem>>)
      %mul3A_152 = arith.constant 16 : i32
      %mul3A_153 = arith.muli %scan3A_8, %mul3A_152 : i32
      %add3A_154 = arith.constant 9 : i32
      %add3A_155 = arith.addi %mul3A_153, %add3A_154 : i32
      %mul3A_156 = arith.constant 16 : i32
      %mul3A_157 = arith.muli %scan3A_8, %mul3A_156 : i32
      %add3A_158 = arith.constant 9 : i32
      %add3A_159 = arith.addi %mul3A_157, %add3A_158 : i32
      %dma_start3A_160 = arith.constant 0 : i32
      %dma_start3A_161 = tpu.memref_slice %arg6[%add3A_159, %dma_start3A_160] : memref<128x400xf32, #tpu.memory_space<vmem>> -> memref<1x400xf32, #tpu.memory_space<vmem>>
      %dma_start3A_162 = tpu.memref_squeeze %dma_start3A_161 : memref<1x400xf32, #tpu.memory_space<vmem>> -> memref<400xf32, #tpu.memory_space<vmem>>
      %dma_start3A_163 = arith.constant 0 : i32
      %dma_start3A_164 = tpu.memref_slice %arg5[%add3A_155, %dma_start3A_163] : memref<128x400xi32, #tpu.memory_space<vmem>> -> memref<1x400xi32, #tpu.memory_space<vmem>>
      %dma_start3A_165 = tpu.memref_squeeze %dma_start3A_164 : memref<1x400xi32, #tpu.memory_space<vmem>> -> memref<400xi32, #tpu.memory_space<vmem>>
      %dma_start3A_166 = arith.constant 0 : i32
      %dma_start3A_167 = tpu.memref_slice %arg2[%dma_start3A_166] : memref<40000000xf32, #tpu.memory_space<hbm>> -> memref<40000000xf32, #tpu.memory_space<hbm>>
      tpu.enqueue_indirect_dma source(%dma_start3A_167 : memref<40000000xf32, #tpu.memory_space<hbm>>) target(%dma_start3A_162 : memref<400xf32, #tpu.memory_space<vmem>>) offsets(%dma_start3A_165 : memref<400xi32, #tpu.memory_space<vmem>>) semaphore(%arg7 : memref<!tpu.dma_semaphore, #tpu.memory_space<semaphore_mem>>)
      %mul3A_168 = arith.constant 16 : i32
      %mul3A_169 = arith.muli %scan3A_8, %mul3A_168 : i32
      %add3A_170 = arith.constant 10 : i32
      %add3A_171 = arith.addi %mul3A_169, %add3A_170 : i32
      %mul3A_172 = arith.constant 16 : i32
      %mul3A_173 = arith.muli %scan3A_8, %mul3A_172 : i32
      %add3A_174 = arith.constant 10 : i32
      %add3A_175 = arith.addi %mul3A_173, %add3A_174 : i32
      %dma_start3A_176 = arith.constant 0 : i32
      %dma_start3A_177 = tpu.memref_slice %arg6[%add3A_175, %dma_start3A_176] : memref<128x400xf32, #tpu.memory_space<vmem>> -> memref<1x400xf32, #tpu.memory_space<vmem>>
      %dma_start3A_178 = tpu.memref_squeeze %dma_start3A_177 : memref<1x400xf32, #tpu.memory_space<vmem>> -> memref<400xf32, #tpu.memory_space<vmem>>
      %dma_start3A_179 = arith.constant 0 : i32
      %dma_start3A_180 = tpu.memref_slice %arg5[%add3A_171, %dma_start3A_179] : memref<128x400xi32, #tpu.memory_space<vmem>> -> memref<1x400xi32, #tpu.memory_space<vmem>>
      %dma_start3A_181 = tpu.memref_squeeze %dma_start3A_180 : memref<1x400xi32, #tpu.memory_space<vmem>> -> memref<400xi32, #tpu.memory_space<vmem>>
      %dma_start3A_182 = arith.constant 0 : i32
      %dma_start3A_183 = tpu.memref_slice %arg2[%dma_start3A_182] : memref<40000000xf32, #tpu.memory_space<hbm>> -> memref<40000000xf32, #tpu.memory_space<hbm>>
      tpu.enqueue_indirect_dma source(%dma_start3A_183 : memref<40000000xf32, #tpu.memory_space<hbm>>) target(%dma_start3A_178 : memref<400xf32, #tpu.memory_space<vmem>>) offsets(%dma_start3A_181 : memref<400xi32, #tpu.memory_space<vmem>>) semaphore(%arg7 : memref<!tpu.dma_semaphore, #tpu.memory_space<semaphore_mem>>)
      %mul3A_184 = arith.constant 16 : i32
      %mul3A_185 = arith.muli %scan3A_8, %mul3A_184 : i32
      %add3A_186 = arith.constant 11 : i32
      %add3A_187 = arith.addi %mul3A_185, %add3A_186 : i32
      %mul3A_188 = arith.constant 16 : i32
      %mul3A_189 = arith.muli %scan3A_8, %mul3A_188 : i32
      %add3A_190 = arith.constant 11 : i32
      %add3A_191 = arith.addi %mul3A_189, %add3A_190 : i32
      %dma_start3A_192 = arith.constant 0 : i32
      %dma_start3A_193 = tpu.memref_slice %arg6[%add3A_191, %dma_start3A_192] : memref<128x400xf32, #tpu.memory_space<vmem>> -> memref<1x400xf32, #tpu.memory_space<vmem>>
      %dma_start3A_194 = tpu.memref_squeeze %dma_start3A_193 : memref<1x400xf32, #tpu.memory_space<vmem>> -> memref<400xf32, #tpu.memory_space<vmem>>
      %dma_start3A_195 = arith.constant 0 : i32
      %dma_start3A_196 = tpu.memref_slice %arg5[%add3A_187, %dma_start3A_195] : memref<128x400xi32, #tpu.memory_space<vmem>> -> memref<1x400xi32, #tpu.memory_space<vmem>>
      %dma_start3A_197 = tpu.memref_squeeze %dma_start3A_196 : memref<1x400xi32, #tpu.memory_space<vmem>> -> memref<400xi32, #tpu.memory_space<vmem>>
      %dma_start3A_198 = arith.constant 0 : i32
      %dma_start3A_199 = tpu.memref_slice %arg2[%dma_start3A_198] : memref<40000000xf32, #tpu.memory_space<hbm>> -> memref<40000000xf32, #tpu.memory_space<hbm>>
      tpu.enqueue_indirect_dma source(%dma_start3A_199 : memref<40000000xf32, #tpu.memory_space<hbm>>) target(%dma_start3A_194 : memref<400xf32, #tpu.memory_space<vmem>>) offsets(%dma_start3A_197 : memref<400xi32, #tpu.memory_space<vmem>>) semaphore(%arg7 : memref<!tpu.dma_semaphore, #tpu.memory_space<semaphore_mem>>)
      %mul3A_200 = arith.constant 16 : i32
      %mul3A_201 = arith.muli %scan3A_8, %mul3A_200 : i32
      %add3A_202 = arith.constant 12 : i32
      %add3A_203 = arith.addi %mul3A_201, %add3A_202 : i32
      %mul3A_204 = arith.constant 16 : i32
      %mul3A_205 = arith.muli %scan3A_8, %mul3A_204 : i32
      %add3A_206 = arith.constant 12 : i32
      %add3A_207 = arith.addi %mul3A_205, %add3A_206 : i32
      %dma_start3A_208 = arith.constant 0 : i32
      %dma_start3A_209 = tpu.memref_slice %arg6[%add3A_207, %dma_start3A_208] : memref<128x400xf32, #tpu.memory_space<vmem>> -> memref<1x400xf32, #tpu.memory_space<vmem>>
      %dma_start3A_210 = tpu.memref_squeeze %dma_start3A_209 : memref<1x400xf32, #tpu.memory_space<vmem>> -> memref<400xf32, #tpu.memory_space<vmem>>
      %dma_start3A_211 = arith.constant 0 : i32
      %dma_start3A_212 = tpu.memref_slice %arg5[%add3A_203, %dma_start3A_211] : memref<128x400xi32, #tpu.memory_space<vmem>> -> memref<1x400xi32, #tpu.memory_space<vmem>>
      %dma_start3A_213 = tpu.memref_squeeze %dma_start3A_212 : memref<1x400xi32, #tpu.memory_space<vmem>> -> memref<400xi32, #tpu.memory_space<vmem>>
      %dma_start3A_214 = arith.constant 0 : i32
      %dma_start3A_215 = tpu.memref_slice %arg2[%dma_start3A_214] : memref<40000000xf32, #tpu.memory_space<hbm>> -> memref<40000000xf32, #tpu.memory_space<hbm>>
      tpu.enqueue_indirect_dma source(%dma_start3A_215 : memref<40000000xf32, #tpu.memory_space<hbm>>) target(%dma_start3A_210 : memref<400xf32, #tpu.memory_space<vmem>>) offsets(%dma_start3A_213 : memref<400xi32, #tpu.memory_space<vmem>>) semaphore(%arg7 : memref<!tpu.dma_semaphore, #tpu.memory_space<semaphore_mem>>)
      %mul3A_216 = arith.constant 16 : i32
      %mul3A_217 = arith.muli %scan3A_8, %mul3A_216 : i32
      %add3A_218 = arith.constant 13 : i32
      %add3A_219 = arith.addi %mul3A_217, %add3A_218 : i32
      %mul3A_220 = arith.constant 16 : i32
      %mul3A_221 = arith.muli %scan3A_8, %mul3A_220 : i32
      %add3A_222 = arith.constant 13 : i32
      %add3A_223 = arith.addi %mul3A_221, %add3A_222 : i32
      %dma_start3A_224 = arith.constant 0 : i32
      %dma_start3A_225 = tpu.memref_slice %arg6[%add3A_223, %dma_start3A_224] : memref<128x400xf32, #tpu.memory_space<vmem>> -> memref<1x400xf32, #tpu.memory_space<vmem>>
      %dma_start3A_226 = tpu.memref_squeeze %dma_start3A_225 : memref<1x400xf32, #tpu.memory_space<vmem>> -> memref<400xf32, #tpu.memory_space<vmem>>
      %dma_start3A_227 = arith.constant 0 : i32
      %dma_start3A_228 = tpu.memref_slice %arg5[%add3A_219, %dma_start3A_227] : memref<128x400xi32, #tpu.memory_space<vmem>> -> memref<1x400xi32, #tpu.memory_space<vmem>>
      %dma_start3A_229 = tpu.memref_squeeze %dma_start3A_228 : memref<1x400xi32, #tpu.memory_space<vmem>> -> memref<400xi32, #tpu.memory_space<vmem>>
      %dma_start3A_230 = arith.constant 0 : i32
      %dma_start3A_231 = tpu.memref_slice %arg2[%dma_start3A_230] : memref<40000000xf32, #tpu.memory_space<hbm>> -> memref<40000000xf32, #tpu.memory_space<hbm>>
      tpu.enqueue_indirect_dma source(%dma_start3A_231 : memref<40000000xf32, #tpu.memory_space<hbm>>) target(%dma_start3A_226 : memref<400xf32, #tpu.memory_space<vmem>>) offsets(%dma_start3A_229 : memref<400xi32, #tpu.memory_space<vmem>>) semaphore(%arg7 : memref<!tpu.dma_semaphore, #tpu.memory_space<semaphore_mem>>)
      %mul3A_232 = arith.constant 16 : i32
      %mul3A_233 = arith.muli %scan3A_8, %mul3A_232 : i32
      %add3A_234 = arith.constant 14 : i32
      %add3A_235 = arith.addi %mul3A_233, %add3A_234 : i32
      %mul3A_236 = arith.constant 16 : i32
      %mul3A_237 = arith.muli %scan3A_8, %mul3A_236 : i32
      %add3A_238 = arith.constant 14 : i32
      %add3A_239 = arith.addi %mul3A_237, %add3A_238 : i32
      %dma_start3A_240 = arith.constant 0 : i32
      %dma_start3A_241 = tpu.memref_slice %arg6[%add3A_239, %dma_start3A_240] : memref<128x400xf32, #tpu.memory_space<vmem>> -> memref<1x400xf32, #tpu.memory_space<vmem>>
      %dma_start3A_242 = tpu.memref_squeeze %dma_start3A_241 : memref<1x400xf32, #tpu.memory_space<vmem>> -> memref<400xf32, #tpu.memory_space<vmem>>
      %dma_start3A_243 = arith.constant 0 : i32
      %dma_start3A_244 = tpu.memref_slice %arg5[%add3A_235, %dma_start3A_243] : memref<128x400xi32, #tpu.memory_space<vmem>> -> memref<1x400xi32, #tpu.memory_space<vmem>>
      %dma_start3A_245 = tpu.memref_squeeze %dma_start3A_244 : memref<1x400xi32, #tpu.memory_space<vmem>> -> memref<400xi32, #tpu.memory_space<vmem>>
      %dma_start3A_246 = arith.constant 0 : i32
      %dma_start3A_247 = tpu.memref_slice %arg2[%dma_start3A_246] : memref<40000000xf32, #tpu.memory_space<hbm>> -> memref<40000000xf32, #tpu.memory_space<hbm>>
      tpu.enqueue_indirect_dma source(%dma_start3A_247 : memref<40000000xf32, #tpu.memory_space<hbm>>) target(%dma_start3A_242 : memref<400xf32, #tpu.memory_space<vmem>>) offsets(%dma_start3A_245 : memref<400xi32, #tpu.memory_space<vmem>>) semaphore(%arg7 : memref<!tpu.dma_semaphore, #tpu.memory_space<semaphore_mem>>)
      %mul3A_248 = arith.constant 16 : i32
      %mul3A_249 = arith.muli %scan3A_8, %mul3A_248 : i32
      %add3A_250 = arith.constant 15 : i32
      %add3A_251 = arith.addi %mul3A_249, %add3A_250 : i32
      %mul3A_252 = arith.constant 16 : i32
      %mul3A_253 = arith.muli %scan3A_8, %mul3A_252 : i32
      %add3A_254 = arith.constant 15 : i32
      %add3A_255 = arith.addi %mul3A_253, %add3A_254 : i32
      %dma_start3A_256 = arith.constant 0 : i32
      %dma_start3A_257 = tpu.memref_slice %arg6[%add3A_255, %dma_start3A_256] : memref<128x400xf32, #tpu.memory_space<vmem>> -> memref<1x400xf32, #tpu.memory_space<vmem>>
      %dma_start3A_258 = tpu.memref_squeeze %dma_start3A_257 : memref<1x400xf32, #tpu.memory_space<vmem>> -> memref<400xf32, #tpu.memory_space<vmem>>
      %dma_start3A_259 = arith.constant 0 : i32
      %dma_start3A_260 = tpu.memref_slice %arg5[%add3A_251, %dma_start3A_259] : memref<128x400xi32, #tpu.memory_space<vmem>> -> memref<1x400xi32, #tpu.memory_space<vmem>>
      %dma_start3A_261 = tpu.memref_squeeze %dma_start3A_260 : memref<1x400xi32, #tpu.memory_space<vmem>> -> memref<400xi32, #tpu.memory_space<vmem>>
      %dma_start3A_262 = arith.constant 0 : i32
      %dma_start3A_263 = tpu.memref_slice %arg2[%dma_start3A_262] : memref<40000000xf32, #tpu.memory_space<hbm>> -> memref<40000000xf32, #tpu.memory_space<hbm>>
      tpu.enqueue_indirect_dma source(%dma_start3A_263 : memref<40000000xf32, #tpu.memory_space<hbm>>) target(%dma_start3A_258 : memref<400xf32, #tpu.memory_space<vmem>>) offsets(%dma_start3A_261 : memref<400xi32, #tpu.memory_space<vmem>>) semaphore(%arg7 : memref<!tpu.dma_semaphore, #tpu.memory_space<semaphore_mem>>)
      %dma_wait3A = arith.constant 0 : i32
      %dma_wait3A_264 = tpu.memref_slice %arg6[%add3A_16, %dma_wait3A] : memref<128x400xf32, #tpu.memory_space<vmem>> -> memref<1x400xf32, #tpu.memory_space<vmem>>
      %dma_wait3A_265 = tpu.memref_squeeze %dma_wait3A_264 : memref<1x400xf32, #tpu.memory_space<vmem>> -> memref<400xf32, #tpu.memory_space<vmem>>
      %dma_wait3A_266 = arith.constant 0 : i32
      %dma_wait3A_267 = tpu.memref_slice %arg5[%add3A_12, %dma_wait3A_266] : memref<128x400xi32, #tpu.memory_space<vmem>> -> memref<1x400xi32, #tpu.memory_space<vmem>>
      %dma_wait3A_268 = tpu.memref_squeeze %dma_wait3A_267 : memref<1x400xi32, #tpu.memory_space<vmem>> -> memref<400xi32, #tpu.memory_space<vmem>>
      %dma_wait3A_269 = arith.constant 0 : i32
      %dma_wait3A_270 = tpu.memref_slice %arg2[%dma_wait3A_269] : memref<40000000xf32, #tpu.memory_space<hbm>> -> memref<40000000xf32, #tpu.memory_space<hbm>>
      tpu.wait_indirect_dma semaphore(%arg7 : memref<!tpu.dma_semaphore, #tpu.memory_space<semaphore_mem>>) src(%dma_wait3A_270 : memref<40000000xf32, #tpu.memory_space<hbm>>) dst(%dma_wait3A_265 : memref<400xf32, #tpu.memory_space<vmem>>)
      %dma_wait3A_271 = arith.constant 0 : i32
      %dma_wait3A_272 = tpu.memref_slice %arg6[%add3A_31, %dma_wait3A_271] : memref<128x400xf32, #tpu.memory_space<vmem>> -> memref<1x400xf32, #tpu.memory_space<vmem>>
      %dma_wait3A_273 = tpu.memref_squeeze %dma_wait3A_272 : memref<1x400xf32, #tpu.memory_space<vmem>> -> memref<400xf32, #tpu.memory_space<vmem>>
      %dma_wait3A_274 = arith.constant 0 : i32
      %dma_wait3A_275 = tpu.memref_slice %arg5[%add3A_27, %dma_wait3A_274] : memref<128x400xi32, #tpu.memory_space<vmem>> -> memref<1x400xi32, #tpu.memory_space<vmem>>
      %dma_wait3A_276 = tpu.memref_squeeze %dma_wait3A_275 : memref<1x400xi32, #tpu.memory_space<vmem>> -> memref<400xi32, #tpu.memory_space<vmem>>
      %dma_wait3A_277 = arith.constant 0 : i32
      %dma_wait3A_278 = tpu.memref_slice %arg2[%dma_wait3A_277] : memref<40000000xf32, #tpu.memory_space<hbm>> -> memref<40000000xf32, #tpu.memory_space<hbm>>
      tpu.wait_indirect_dma semaphore(%arg7 : memref<!tpu.dma_semaphore, #tpu.memory_space<semaphore_mem>>) src(%dma_wait3A_278 : memref<40000000xf32, #tpu.memory_space<hbm>>) dst(%dma_wait3A_273 : memref<400xf32, #tpu.memory_space<vmem>>)
      %dma_wait3A_279 = arith.constant 0 : i32
      %dma_wait3A_280 = tpu.memref_slice %arg6[%add3A_47, %dma_wait3A_279] : memref<128x400xf32, #tpu.memory_space<vmem>> -> memref<1x400xf32, #tpu.memory_space<vmem>>
      %dma_wait3A_281 = tpu.memref_squeeze %dma_wait3A_280 : memref<1x400xf32, #tpu.memory_space<vmem>> -> memref<400xf32, #tpu.memory_space<vmem>>
      %dma_wait3A_282 = arith.constant 0 : i32
      %dma_wait3A_283 = tpu.memref_slice %arg5[%add3A_43, %dma_wait3A_282] : memref<128x400xi32, #tpu.memory_space<vmem>> -> memref<1x400xi32, #tpu.memory_space<vmem>>
      %dma_wait3A_284 = tpu.memref_squeeze %dma_wait3A_283 : memref<1x400xi32, #tpu.memory_space<vmem>> -> memref<400xi32, #tpu.memory_space<vmem>>
      %dma_wait3A_285 = arith.constant 0 : i32
      %dma_wait3A_286 = tpu.memref_slice %arg2[%dma_wait3A_285] : memref<40000000xf32, #tpu.memory_space<hbm>> -> memref<40000000xf32, #tpu.memory_space<hbm>>
      tpu.wait_indirect_dma semaphore(%arg7 : memref<!tpu.dma_semaphore, #tpu.memory_space<semaphore_mem>>) src(%dma_wait3A_286 : memref<40000000xf32, #tpu.memory_space<hbm>>) dst(%dma_wait3A_281 : memref<400xf32, #tpu.memory_space<vmem>>)
      %dma_wait3A_287 = arith.constant 0 : i32
      %dma_wait3A_288 = tpu.memref_slice %arg6[%add3A_63, %dma_wait3A_287] : memref<128x400xf32, #tpu.memory_space<vmem>> -> memref<1x400xf32, #tpu.memory_space<vmem>>
      %dma_wait3A_289 = tpu.memref_squeeze %dma_wait3A_288 : memref<1x400xf32, #tpu.memory_space<vmem>> -> memref<400xf32, #tpu.memory_space<vmem>>
      %dma_wait3A_290 = arith.constant 0 : i32
      %dma_wait3A_291 = tpu.memref_slice %arg5[%add3A_59, %dma_wait3A_290] : memref<128x400xi32, #tpu.memory_space<vmem>> -> memref<1x400xi32, #tpu.memory_space<vmem>>
      %dma_wait3A_292 = tpu.memref_squeeze %dma_wait3A_291 : memref<1x400xi32, #tpu.memory_space<vmem>> -> memref<400xi32, #tpu.memory_space<vmem>>
      %dma_wait3A_293 = arith.constant 0 : i32
      %dma_wait3A_294 = tpu.memref_slice %arg2[%dma_wait3A_293] : memref<40000000xf32, #tpu.memory_space<hbm>> -> memref<40000000xf32, #tpu.memory_space<hbm>>
      tpu.wait_indirect_dma semaphore(%arg7 : memref<!tpu.dma_semaphore, #tpu.memory_space<semaphore_mem>>) src(%dma_wait3A_294 : memref<40000000xf32, #tpu.memory_space<hbm>>) dst(%dma_wait3A_289 : memref<400xf32, #tpu.memory_space<vmem>>)
      %dma_wait3A_295 = arith.constant 0 : i32
      %dma_wait3A_296 = tpu.memref_slice %arg6[%add3A_79, %dma_wait3A_295] : memref<128x400xf32, #tpu.memory_space<vmem>> -> memref<1x400xf32, #tpu.memory_space<vmem>>
      %dma_wait3A_297 = tpu.memref_squeeze %dma_wait3A_296 : memref<1x400xf32, #tpu.memory_space<vmem>> -> memref<400xf32, #tpu.memory_space<vmem>>
      %dma_wait3A_298 = arith.constant 0 : i32
      %dma_wait3A_299 = tpu.memref_slice %arg5[%add3A_75, %dma_wait3A_298] : memref<128x400xi32, #tpu.memory_space<vmem>> -> memref<1x400xi32, #tpu.memory_space<vmem>>
      %dma_wait3A_300 = tpu.memref_squeeze %dma_wait3A_299 : memref<1x400xi32, #tpu.memory_space<vmem>> -> memref<400xi32, #tpu.memory_space<vmem>>
      %dma_wait3A_301 = arith.constant 0 : i32
      %dma_wait3A_302 = tpu.memref_slice %arg2[%dma_wait3A_301] : memref<40000000xf32, #tpu.memory_space<hbm>> -> memref<40000000xf32, #tpu.memory_space<hbm>>
      tpu.wait_indirect_dma semaphore(%arg7 : memref<!tpu.dma_semaphore, #tpu.memory_space<semaphore_mem>>) src(%dma_wait3A_302 : memref<40000000xf32, #tpu.memory_space<hbm>>) dst(%dma_wait3A_297 : memref<400xf32, #tpu.memory_space<vmem>>)
      %dma_wait3A_303 = arith.constant 0 : i32
      %dma_wait3A_304 = tpu.memref_slice %arg6[%add3A_95, %dma_wait3A_303] : memref<128x400xf32, #tpu.memory_space<vmem>> -> memref<1x400xf32, #tpu.memory_space<vmem>>
      %dma_wait3A_305 = tpu.memref_squeeze %dma_wait3A_304 : memref<1x400xf32, #tpu.memory_space<vmem>> -> memref<400xf32, #tpu.memory_space<vmem>>
      %dma_wait3A_306 = arith.constant 0 : i32
      %dma_wait3A_307 = tpu.memref_slice %arg5[%add3A_91, %dma_wait3A_306] : memref<128x400xi32, #tpu.memory_space<vmem>> -> memref<1x400xi32, #tpu.memory_space<vmem>>
      %dma_wait3A_308 = tpu.memref_squeeze %dma_wait3A_307 : memref<1x400xi32, #tpu.memory_space<vmem>> -> memref<400xi32, #tpu.memory_space<vmem>>
      %dma_wait3A_309 = arith.constant 0 : i32
      %dma_wait3A_310 = tpu.memref_slice %arg2[%dma_wait3A_309] : memref<40000000xf32, #tpu.memory_space<hbm>> -> memref<40000000xf32, #tpu.memory_space<hbm>>
      tpu.wait_indirect_dma semaphore(%arg7 : memref<!tpu.dma_semaphore, #tpu.memory_space<semaphore_mem>>) src(%dma_wait3A_310 : memref<40000000xf32, #tpu.memory_space<hbm>>) dst(%dma_wait3A_305 : memref<400xf32, #tpu.memory_space<vmem>>)
      %dma_wait3A_311 = arith.constant 0 : i32
      %dma_wait3A_312 = tpu.memref_slice %arg6[%add3A_111, %dma_wait3A_311] : memref<128x400xf32, #tpu.memory_space<vmem>> -> memref<1x400xf32, #tpu.memory_space<vmem>>
      %dma_wait3A_313 = tpu.memref_squeeze %dma_wait3A_312 : memref<1x400xf32, #tpu.memory_space<vmem>> -> memref<400xf32, #tpu.memory_space<vmem>>
      %dma_wait3A_314 = arith.constant 0 : i32
      %dma_wait3A_315 = tpu.memref_slice %arg5[%add3A_107, %dma_wait3A_314] : memref<128x400xi32, #tpu.memory_space<vmem>> -> memref<1x400xi32, #tpu.memory_space<vmem>>
      %dma_wait3A_316 = tpu.memref_squeeze %dma_wait3A_315 : memref<1x400xi32, #tpu.memory_space<vmem>> -> memref<400xi32, #tpu.memory_space<vmem>>
      %dma_wait3A_317 = arith.constant 0 : i32
      %dma_wait3A_318 = tpu.memref_slice %arg2[%dma_wait3A_317] : memref<40000000xf32, #tpu.memory_space<hbm>> -> memref<40000000xf32, #tpu.memory_space<hbm>>
      tpu.wait_indirect_dma semaphore(%arg7 : memref<!tpu.dma_semaphore, #tpu.memory_space<semaphore_mem>>) src(%dma_wait3A_318 : memref<40000000xf32, #tpu.memory_space<hbm>>) dst(%dma_wait3A_313 : memref<400xf32, #tpu.memory_space<vmem>>)
      %dma_wait3A_319 = arith.constant 0 : i32
      %dma_wait3A_320 = tpu.memref_slice %arg6[%add3A_127, %dma_wait3A_319] : memref<128x400xf32, #tpu.memory_space<vmem>> -> memref<1x400xf32, #tpu.memory_space<vmem>>
      %dma_wait3A_321 = tpu.memref_squeeze %dma_wait3A_320 : memref<1x400xf32, #tpu.memory_space<vmem>> -> memref<400xf32, #tpu.memory_space<vmem>>
      %dma_wait3A_322 = arith.constant 0 : i32
      %dma_wait3A_323 = tpu.memref_slice %arg5[%add3A_123, %dma_wait3A_322] : memref<128x400xi32, #tpu.memory_space<vmem>> -> memref<1x400xi32, #tpu.memory_space<vmem>>
      %dma_wait3A_324 = tpu.memref_squeeze %dma_wait3A_323 : memref<1x400xi32, #tpu.memory_space<vmem>> -> memref<400xi32, #tpu.memory_space<vmem>>
      %dma_wait3A_325 = arith.constant 0 : i32
      %dma_wait3A_326 = tpu.memref_slice %arg2[%dma_wait3A_325] : memref<40000000xf32, #tpu.memory_space<hbm>> -> memref<40000000xf32, #tpu.memory_space<hbm>>
      tpu.wait_indirect_dma semaphore(%arg7 : memref<!tpu.dma_semaphore, #tpu.memory_space<semaphore_mem>>) src(%dma_wait3A_326 : memref<40000000xf32, #tpu.memory_space<hbm>>) dst(%dma_wait3A_321 : memref<400xf32, #tpu.memory_space<vmem>>)
      %dma_wait3A_327 = arith.constant 0 : i32
      %dma_wait3A_328 = tpu.memref_slice %arg6[%add3A_143, %dma_wait3A_327] : memref<128x400xf32, #tpu.memory_space<vmem>> -> memref<1x400xf32, #tpu.memory_space<vmem>>
      %dma_wait3A_329 = tpu.memref_squeeze %dma_wait3A_328 : memref<1x400xf32, #tpu.memory_space<vmem>> -> memref<400xf32, #tpu.memory_space<vmem>>
      %dma_wait3A_330 = arith.constant 0 : i32
      %dma_wait3A_331 = tpu.memref_slice %arg5[%add3A_139, %dma_wait3A_330] : memref<128x400xi32, #tpu.memory_space<vmem>> -> memref<1x400xi32, #tpu.memory_space<vmem>>
      %dma_wait3A_332 = tpu.memref_squeeze %dma_wait3A_331 : memref<1x400xi32, #tpu.memory_space<vmem>> -> memref<400xi32, #tpu.memory_space<vmem>>
      %dma_wait3A_333 = arith.constant 0 : i32
      %dma_wait3A_334 = tpu.memref_slice %arg2[%dma_wait3A_333] : memref<40000000xf32, #tpu.memory_space<hbm>> -> memref<40000000xf32, #tpu.memory_space<hbm>>
      tpu.wait_indirect_dma semaphore(%arg7 : memref<!tpu.dma_semaphore, #tpu.memory_space<semaphore_mem>>) src(%dma_wait3A_334 : memref<40000000xf32, #tpu.memory_space<hbm>>) dst(%dma_wait3A_329 : memref<400xf32, #tpu.memory_space<vmem>>)
      %dma_wait3A_335 = arith.constant 0 : i32
      %dma_wait3A_336 = tpu.memref_slice %arg6[%add3A_159, %dma_wait3A_335] : memref<128x400xf32, #tpu.memory_space<vmem>> -> memref<1x400xf32, #tpu.memory_space<vmem>>
      %dma_wait3A_337 = tpu.memref_squeeze %dma_wait3A_336 : memref<1x400xf32, #tpu.memory_space<vmem>> -> memref<400xf32, #tpu.memory_space<vmem>>
      %dma_wait3A_338 = arith.constant 0 : i32
      %dma_wait3A_339 = tpu.memref_slice %arg5[%add3A_155, %dma_wait3A_338] : memref<128x400xi32, #tpu.memory_space<vmem>> -> memref<1x400xi32, #tpu.memory_space<vmem>>
      %dma_wait3A_340 = tpu.memref_squeeze %dma_wait3A_339 : memref<1x400xi32, #tpu.memory_space<vmem>> -> memref<400xi32, #tpu.memory_space<vmem>>
      %dma_wait3A_341 = arith.constant 0 : i32
      %dma_wait3A_342 = tpu.memref_slice %arg2[%dma_wait3A_341] : memref<40000000xf32, #tpu.memory_space<hbm>> -> memref<40000000xf32, #tpu.memory_space<hbm>>
      tpu.wait_indirect_dma semaphore(%arg7 : memref<!tpu.dma_semaphore, #tpu.memory_space<semaphore_mem>>) src(%dma_wait3A_342 : memref<40000000xf32, #tpu.memory_space<hbm>>) dst(%dma_wait3A_337 : memref<400xf32, #tpu.memory_space<vmem>>)
      %dma_wait3A_343 = arith.constant 0 : i32
      %dma_wait3A_344 = tpu.memref_slice %arg6[%add3A_175, %dma_wait3A_343] : memref<128x400xf32, #tpu.memory_space<vmem>> -> memref<1x400xf32, #tpu.memory_space<vmem>>
      %dma_wait3A_345 = tpu.memref_squeeze %dma_wait3A_344 : memref<1x400xf32, #tpu.memory_space<vmem>> -> memref<400xf32, #tpu.memory_space<vmem>>
      %dma_wait3A_346 = arith.constant 0 : i32
      %dma_wait3A_347 = tpu.memref_slice %arg5[%add3A_171, %dma_wait3A_346] : memref<128x400xi32, #tpu.memory_space<vmem>> -> memref<1x400xi32, #tpu.memory_space<vmem>>
      %dma_wait3A_348 = tpu.memref_squeeze %dma_wait3A_347 : memref<1x400xi32, #tpu.memory_space<vmem>> -> memref<400xi32, #tpu.memory_space<vmem>>
      %dma_wait3A_349 = arith.constant 0 : i32
      %dma_wait3A_350 = tpu.memref_slice %arg2[%dma_wait3A_349] : memref<40000000xf32, #tpu.memory_space<hbm>> -> memref<40000000xf32, #tpu.memory_space<hbm>>
      tpu.wait_indirect_dma semaphore(%arg7 : memref<!tpu.dma_semaphore, #tpu.memory_space<semaphore_mem>>) src(%dma_wait3A_350 : memref<40000000xf32, #tpu.memory_space<hbm>>) dst(%dma_wait3A_345 : memref<400xf32, #tpu.memory_space<vmem>>)
      %dma_wait3A_351 = arith.constant 0 : i32
      %dma_wait3A_352 = tpu.memref_slice %arg6[%add3A_191, %dma_wait3A_351] : memref<128x400xf32, #tpu.memory_space<vmem>> -> memref<1x400xf32, #tpu.memory_space<vmem>>
      %dma_wait3A_353 = tpu.memref_squeeze %dma_wait3A_352 : memref<1x400xf32, #tpu.memory_space<vmem>> -> memref<400xf32, #tpu.memory_space<vmem>>
      %dma_wait3A_354 = arith.constant 0 : i32
      %dma_wait3A_355 = tpu.memref_slice %arg5[%add3A_187, %dma_wait3A_354] : memref<128x400xi32, #tpu.memory_space<vmem>> -> memref<1x400xi32, #tpu.memory_space<vmem>>
      %dma_wait3A_356 = tpu.memref_squeeze %dma_wait3A_355 : memref<1x400xi32, #tpu.memory_space<vmem>> -> memref<400xi32, #tpu.memory_space<vmem>>
      %dma_wait3A_357 = arith.constant 0 : i32
      %dma_wait3A_358 = tpu.memref_slice %arg2[%dma_wait3A_357] : memref<40000000xf32, #tpu.memory_space<hbm>> -> memref<40000000xf32, #tpu.memory_space<hbm>>
      tpu.wait_indirect_dma semaphore(%arg7 : memref<!tpu.dma_semaphore, #tpu.memory_space<semaphore_mem>>) src(%dma_wait3A_358 : memref<40000000xf32, #tpu.memory_space<hbm>>) dst(%dma_wait3A_353 : memref<400xf32, #tpu.memory_space<vmem>>)
      %dma_wait3A_359 = arith.constant 0 : i32
      %dma_wait3A_360 = tpu.memref_slice %arg6[%add3A_207, %dma_wait3A_359] : memref<128x400xf32, #tpu.memory_space<vmem>> -> memref<1x400xf32, #tpu.memory_space<vmem>>
      %dma_wait3A_361 = tpu.memref_squeeze %dma_wait3A_360 : memref<1x400xf32, #tpu.memory_space<vmem>> -> memref<400xf32, #tpu.memory_space<vmem>>
      %dma_wait3A_362 = arith.constant 0 : i32
      %dma_wait3A_363 = tpu.memref_slice %arg5[%add3A_203, %dma_wait3A_362] : memref<128x400xi32, #tpu.memory_space<vmem>> -> memref<1x400xi32, #tpu.memory_space<vmem>>
      %dma_wait3A_364 = tpu.memref_squeeze %dma_wait3A_363 : memref<1x400xi32, #tpu.memory_space<vmem>> -> memref<400xi32, #tpu.memory_space<vmem>>
      %dma_wait3A_365 = arith.constant 0 : i32
      %dma_wait3A_366 = tpu.memref_slice %arg2[%dma_wait3A_365] : memref<40000000xf32, #tpu.memory_space<hbm>> -> memref<40000000xf32, #tpu.memory_space<hbm>>
      tpu.wait_indirect_dma semaphore(%arg7 : memref<!tpu.dma_semaphore, #tpu.memory_space<semaphore_mem>>) src(%dma_wait3A_366 : memref<40000000xf32, #tpu.memory_space<hbm>>) dst(%dma_wait3A_361 : memref<400xf32, #tpu.memory_space<vmem>>)
      %dma_wait3A_367 = arith.constant 0 : i32
      %dma_wait3A_368 = tpu.memref_slice %arg6[%add3A_223, %dma_wait3A_367] : memref<128x400xf32, #tpu.memory_space<vmem>> -> memref<1x400xf32, #tpu.memory_space<vmem>>
      %dma_wait3A_369 = tpu.memref_squeeze %dma_wait3A_368 : memref<1x400xf32, #tpu.memory_space<vmem>> -> memref<400xf32, #tpu.memory_space<vmem>>
      %dma_wait3A_370 = arith.constant 0 : i32
      %dma_wait3A_371 = tpu.memref_slice %arg5[%add3A_219, %dma_wait3A_370] : memref<128x400xi32, #tpu.memory_space<vmem>> -> memref<1x400xi32, #tpu.memory_space<vmem>>
      %dma_wait3A_372 = tpu.memref_squeeze %dma_wait3A_371 : memref<1x400xi32, #tpu.memory_space<vmem>> -> memref<400xi32, #tpu.memory_space<vmem>>
      %dma_wait3A_373 = arith.constant 0 : i32
      %dma_wait3A_374 = tpu.memref_slice %arg2[%dma_wait3A_373] : memref<40000000xf32, #tpu.memory_space<hbm>> -> memref<40000000xf32, #tpu.memory_space<hbm>>
      tpu.wait_indirect_dma semaphore(%arg7 : memref<!tpu.dma_semaphore, #tpu.memory_space<semaphore_mem>>) src(%dma_wait3A_374 : memref<40000000xf32, #tpu.memory_space<hbm>>) dst(%dma_wait3A_369 : memref<400xf32, #tpu.memory_space<vmem>>)
      %dma_wait3A_375 = arith.constant 0 : i32
      %dma_wait3A_376 = tpu.memref_slice %arg6[%add3A_239, %dma_wait3A_375] : memref<128x400xf32, #tpu.memory_space<vmem>> -> memref<1x400xf32, #tpu.memory_space<vmem>>
      %dma_wait3A_377 = tpu.memref_squeeze %dma_wait3A_376 : memref<1x400xf32, #tpu.memory_space<vmem>> -> memref<400xf32, #tpu.memory_space<vmem>>
      %dma_wait3A_378 = arith.constant 0 : i32
      %dma_wait3A_379 = tpu.memref_slice %arg5[%add3A_235, %dma_wait3A_378] : memref<128x400xi32, #tpu.memory_space<vmem>> -> memref<1x400xi32, #tpu.memory_space<vmem>>
      %dma_wait3A_380 = tpu.memref_squeeze %dma_wait3A_379 : memref<1x400xi32, #tpu.memory_space<vmem>> -> memref<400xi32, #tpu.memory_space<vmem>>
      %dma_wait3A_381 = arith.constant 0 : i32
      %dma_wait3A_382 = tpu.memref_slice %arg2[%dma_wait3A_381] : memref<40000000xf32, #tpu.memory_space<hbm>> -> memref<40000000xf32, #tpu.memory_space<hbm>>
      tpu.wait_indirect_dma semaphore(%arg7 : memref<!tpu.dma_semaphore, #tpu.memory_space<semaphore_mem>>) src(%dma_wait3A_382 : memref<40000000xf32, #tpu.memory_space<hbm>>) dst(%dma_wait3A_377 : memref<400xf32, #tpu.memory_space<vmem>>)
      %dma_wait3A_383 = arith.constant 0 : i32
      %dma_wait3A_384 = tpu.memref_slice %arg6[%add3A_255, %dma_wait3A_383] : memref<128x400xf32, #tpu.memory_space<vmem>> -> memref<1x400xf32, #tpu.memory_space<vmem>>
      %dma_wait3A_385 = tpu.memref_squeeze %dma_wait3A_384 : memref<1x400xf32, #tpu.memory_space<vmem>> -> memref<400xf32, #tpu.memory_space<vmem>>
      %dma_wait3A_386 = arith.constant 0 : i32
      %dma_wait3A_387 = tpu.memref_slice %arg5[%add3A_251, %dma_wait3A_386] : memref<128x400xi32, #tpu.memory_space<vmem>> -> memref<1x400xi32, #tpu.memory_space<vmem>>
      %dma_wait3A_388 = tpu.memref_squeeze %dma_wait3A_387 : memref<1x400xi32, #tpu.memory_space<vmem>> -> memref<400xi32, #tpu.memory_space<vmem>>
      %dma_wait3A_389 = arith.constant 0 : i32
      %dma_wait3A_390 = tpu.memref_slice %arg2[%dma_wait3A_389] : memref<40000000xf32, #tpu.memory_space<hbm>> -> memref<40000000xf32, #tpu.memory_space<hbm>>
      tpu.wait_indirect_dma semaphore(%arg7 : memref<!tpu.dma_semaphore, #tpu.memory_space<semaphore_mem>>) src(%dma_wait3A_390 : memref<40000000xf32, #tpu.memory_space<hbm>>) dst(%dma_wait3A_385 : memref<400xf32, #tpu.memory_space<vmem>>)
    }
    %scan3A_7 = arith.constant 8 : i32
    "tpu.region"() ({
      %run_scoped3A = tpu.sem_alloc : memref<!tpu.dma_semaphore, #tpu.memory_space<semaphore_mem>>
      %dma_start3A = arith.constant 0 : i32
      %dma_start3A_8 = tpu.memref_slice %arg4[%mul3A_2, %dma_start3A] : memref<4096x400xf32, #tpu.memory_space<hbm>> -> memref<128x400xf32, #tpu.memory_space<hbm>>
      %dma_start3A_9 = arith.constant 0 : i32
      %dma_start3A_10 = tpu.memref_slice %arg4[%mul3A_2, %dma_start3A_9] : memref<4096x400xf32, #tpu.memory_space<hbm>> -> memref<128x400xf32, #tpu.memory_space<hbm>>
      tpu.enqueue_dma source(%arg6 : memref<128x400xf32, #tpu.memory_space<vmem>>) target(%dma_start3A_10 : memref<128x400xf32, #tpu.memory_space<hbm>>) target_semaphore(%run_scoped3A : memref<!tpu.dma_semaphore, #tpu.memory_space<semaphore_mem>>)
      %dma_wait3A = arith.constant 0 : i32
      %dma_wait3A_11 = tpu.memref_slice %arg4[%mul3A_2, %dma_wait3A] : memref<4096x400xf32, #tpu.memory_space<hbm>> -> memref<128x400xf32, #tpu.memory_space<hbm>>
      %dma_wait3A_12 = arith.constant 0 : i32
      %dma_wait3A_13 = tpu.memref_slice %arg4[%mul3A_2, %dma_wait3A_12] : memref<4096x400xf32, #tpu.memory_space<hbm>> -> memref<128x400xf32, #tpu.memory_space<hbm>>
      tpu.wait_dma2 semaphore(%run_scoped3A : memref<!tpu.dma_semaphore, #tpu.memory_space<semaphore_mem>>) src(%arg6 : memref<128x400xf32, #tpu.memory_space<vmem>>) dst(%dma_wait3A_13 : memref<128x400xf32, #tpu.memory_space<hbm>>)
      tpu.yield
    }) : () -> ()
    return
  }
}

#map = affine_map<(d0, d1) -> (0, 0)>
#map1 = affine_map<(d0, d1) -> (0, 0, 0)>
module attributes {stable_mosaic.version = 14 : i64} {
  func.func @_sc_seq_half_body(%arg0: i32, %arg1: i32, %arg2: memref<100000x16xf32, #tpu.memory_space<hbm>>, %arg3: memref<32x200x128xi32, #tpu.memory_space<hbm>>, %arg4: memref<32x1x128xi32, #tpu.memory_space<hbm>>, %arg5: memref<819200x16xf32, #tpu.memory_space<hbm>>, %arg6: memref<4096x16xf32, #tpu.memory_space<hbm>>, %arg7: memref<200x128xi32, #tpu.memory_space<vmem>>, %arg8: memref<512x16xf32, #tpu.memory_space<vmem>>, %arg9: memref<1x128xi32, #tpu.memory_space<vmem>>, %arg10: memref<128x16xf32, #tpu.memory_space<vmem>>, %arg11: memref<!tpu.dma_semaphore, #tpu.memory_space<semaphore_mem>>) attributes {dimension_semantics = [#tpu.dimension_semantics<core_parallel>, #tpu.dimension_semantics<subcore_parallel>], iteration_bounds = array<i64: 2, 16>, scalar_prefetch = 0 : i64, scratch_operands = 5 : i64, tpu.core_type = #tpu.core_type<sc_vector_subcore>, window_params = [{transform_indices = #map}, {transform_indices = #map1}, {transform_indices = #map1}, {transform_indices = #map}, {transform_indices = #map}]} {
    %mul3A = arith.constant 2 : i32
    %mul3A_0 = arith.muli %arg1, %mul3A : i32
    %add3A = arith.addi %mul3A_0, %arg0 : i32
    "tpu.region"() ({
      %run_scoped3A = tpu.sem_alloc : memref<!tpu.dma_semaphore, #tpu.memory_space<semaphore_mem>>
      %dma_start3A_20 = arith.constant 0 : i32
      %dma_start3A_21 = arith.constant 0 : i32
      %dma_start3A_22 = tpu.memref_slice %arg3[%add3A, %dma_start3A_20, %dma_start3A_21] : memref<32x200x128xi32, #tpu.memory_space<hbm>> -> memref<1x200x128xi32, #tpu.memory_space<hbm>>
      %dma_start3A_23 = tpu.memref_squeeze %dma_start3A_22 : memref<1x200x128xi32, #tpu.memory_space<hbm>> -> memref<200x128xi32, #tpu.memory_space<hbm>>
      %dma_start3A_24 = arith.constant 0 : i32
      %dma_start3A_25 = arith.constant 0 : i32
      %dma_start3A_26 = tpu.memref_slice %arg3[%add3A, %dma_start3A_24, %dma_start3A_25] : memref<32x200x128xi32, #tpu.memory_space<hbm>> -> memref<1x200x128xi32, #tpu.memory_space<hbm>>
      %dma_start3A_27 = tpu.memref_squeeze %dma_start3A_26 : memref<1x200x128xi32, #tpu.memory_space<hbm>> -> memref<200x128xi32, #tpu.memory_space<hbm>>
      tpu.enqueue_dma source(%dma_start3A_27 : memref<200x128xi32, #tpu.memory_space<hbm>>) target(%arg7 : memref<200x128xi32, #tpu.memory_space<vmem>>) target_semaphore(%run_scoped3A : memref<!tpu.dma_semaphore, #tpu.memory_space<semaphore_mem>>)
      %dma_wait3A_28 = arith.constant 0 : i32
      %dma_wait3A_29 = arith.constant 0 : i32
      %dma_wait3A_30 = tpu.memref_slice %arg3[%add3A, %dma_wait3A_28, %dma_wait3A_29] : memref<32x200x128xi32, #tpu.memory_space<hbm>> -> memref<1x200x128xi32, #tpu.memory_space<hbm>>
      %dma_wait3A_31 = tpu.memref_squeeze %dma_wait3A_30 : memref<1x200x128xi32, #tpu.memory_space<hbm>> -> memref<200x128xi32, #tpu.memory_space<hbm>>
      %dma_wait3A_32 = arith.constant 0 : i32
      %dma_wait3A_33 = arith.constant 0 : i32
      %dma_wait3A_34 = tpu.memref_slice %arg3[%add3A, %dma_wait3A_32, %dma_wait3A_33] : memref<32x200x128xi32, #tpu.memory_space<hbm>> -> memref<1x200x128xi32, #tpu.memory_space<hbm>>
      %dma_wait3A_35 = tpu.memref_squeeze %dma_wait3A_34 : memref<1x200x128xi32, #tpu.memory_space<hbm>> -> memref<200x128xi32, #tpu.memory_space<hbm>>
      tpu.wait_dma2 semaphore(%run_scoped3A : memref<!tpu.dma_semaphore, #tpu.memory_space<semaphore_mem>>) src(%dma_wait3A_35 : memref<200x128xi32, #tpu.memory_space<hbm>>) dst(%arg7 : memref<200x128xi32, #tpu.memory_space<vmem>>)
      tpu.yield
    }) : () -> ()
    %scan3A = arith.constant 0 : i32
    %scan3A_1 = arith.constant 0 : i32
    %scan3A_2 = arith.constant 50 : i32
    %scan3A_3 = arith.addi %scan3A_1, %scan3A_2 : i32
    %scan3A_4 = arith.constant 1 : i32
    scf.for %scan3A_20 = %scan3A_1 to %scan3A_3 step %scan3A_4  : i32 {
      %mul3A_21 = arith.constant 4 : i32
      %mul3A_22 = arith.muli %scan3A_20, %mul3A_21 : i32
      %add3A_23 = arith.constant 0 : i32
      %add3A_24 = arith.addi %mul3A_22, %add3A_23 : i32
      %dma_start3A_25 = arith.constant 0 : i32
      %dma_start3A_26 = arith.constant 0 : i32
      %dma_start3A_27 = tpu.memref_slice %arg8[%dma_start3A_25, %dma_start3A_26] : memref<512x16xf32, #tpu.memory_space<vmem>> -> memref<128x16xf32, #tpu.memory_space<vmem>>
      %dma_start3A_28 = arith.constant 0 : i32
      %dma_start3A_29 = tpu.memref_slice %arg7[%add3A_24, %dma_start3A_28] : memref<200x128xi32, #tpu.memory_space<vmem>> -> memref<1x128xi32, #tpu.memory_space<vmem>>
      %dma_start3A_30 = tpu.memref_squeeze %dma_start3A_29 : memref<1x128xi32, #tpu.memory_space<vmem>> -> memref<128xi32, #tpu.memory_space<vmem>>
      %dma_start3A_31 = arith.constant 0 : i32
      %dma_start3A_32 = arith.constant 0 : i32
      %dma_start3A_33 = tpu.memref_slice %arg2[%dma_start3A_31, %dma_start3A_32] : memref<100000x16xf32, #tpu.memory_space<hbm>> -> memref<100000x16xf32, #tpu.memory_space<hbm>>
      tpu.enqueue_indirect_dma source(%dma_start3A_33 : memref<100000x16xf32, #tpu.memory_space<hbm>>) target(%dma_start3A_27 : memref<128x16xf32, #tpu.memory_space<vmem>>) offsets(%dma_start3A_30 : memref<128xi32, #tpu.memory_space<vmem>>) semaphore(%arg11 : memref<!tpu.dma_semaphore, #tpu.memory_space<semaphore_mem>>)
      %mul3A_34 = arith.constant 4 : i32
      %mul3A_35 = arith.muli %scan3A_20, %mul3A_34 : i32
      %add3A_36 = arith.constant 1 : i32
      %add3A_37 = arith.addi %mul3A_35, %add3A_36 : i32
      %dma_start3A_38 = arith.constant 128 : i32
      %dma_start3A_39 = arith.constant 0 : i32
      %dma_start3A_40 = tpu.memref_slice %arg8[%dma_start3A_38, %dma_start3A_39] : memref<512x16xf32, #tpu.memory_space<vmem>> -> memref<128x16xf32, #tpu.memory_space<vmem>>
      %dma_start3A_41 = arith.constant 0 : i32
      %dma_start3A_42 = tpu.memref_slice %arg7[%add3A_37, %dma_start3A_41] : memref<200x128xi32, #tpu.memory_space<vmem>> -> memref<1x128xi32, #tpu.memory_space<vmem>>
      %dma_start3A_43 = tpu.memref_squeeze %dma_start3A_42 : memref<1x128xi32, #tpu.memory_space<vmem>> -> memref<128xi32, #tpu.memory_space<vmem>>
      %dma_start3A_44 = arith.constant 0 : i32
      %dma_start3A_45 = arith.constant 0 : i32
      %dma_start3A_46 = tpu.memref_slice %arg2[%dma_start3A_44, %dma_start3A_45] : memref<100000x16xf32, #tpu.memory_space<hbm>> -> memref<100000x16xf32, #tpu.memory_space<hbm>>
      tpu.enqueue_indirect_dma source(%dma_start3A_46 : memref<100000x16xf32, #tpu.memory_space<hbm>>) target(%dma_start3A_40 : memref<128x16xf32, #tpu.memory_space<vmem>>) offsets(%dma_start3A_43 : memref<128xi32, #tpu.memory_space<vmem>>) semaphore(%arg11 : memref<!tpu.dma_semaphore, #tpu.memory_space<semaphore_mem>>)
      %mul3A_47 = arith.constant 4 : i32
      %mul3A_48 = arith.muli %scan3A_20, %mul3A_47 : i32
      %add3A_49 = arith.constant 2 : i32
      %add3A_50 = arith.addi %mul3A_48, %add3A_49 : i32
      %dma_start3A_51 = arith.constant 256 : i32
      %dma_start3A_52 = arith.constant 0 : i32
      %dma_start3A_53 = tpu.memref_slice %arg8[%dma_start3A_51, %dma_start3A_52] : memref<512x16xf32, #tpu.memory_space<vmem>> -> memref<128x16xf32, #tpu.memory_space<vmem>>
      %dma_start3A_54 = arith.constant 0 : i32
      %dma_start3A_55 = tpu.memref_slice %arg7[%add3A_50, %dma_start3A_54] : memref<200x128xi32, #tpu.memory_space<vmem>> -> memref<1x128xi32, #tpu.memory_space<vmem>>
      %dma_start3A_56 = tpu.memref_squeeze %dma_start3A_55 : memref<1x128xi32, #tpu.memory_space<vmem>> -> memref<128xi32, #tpu.memory_space<vmem>>
      %dma_start3A_57 = arith.constant 0 : i32
      %dma_start3A_58 = arith.constant 0 : i32
      %dma_start3A_59 = tpu.memref_slice %arg2[%dma_start3A_57, %dma_start3A_58] : memref<100000x16xf32, #tpu.memory_space<hbm>> -> memref<100000x16xf32, #tpu.memory_space<hbm>>
      tpu.enqueue_indirect_dma source(%dma_start3A_59 : memref<100000x16xf32, #tpu.memory_space<hbm>>) target(%dma_start3A_53 : memref<128x16xf32, #tpu.memory_space<vmem>>) offsets(%dma_start3A_56 : memref<128xi32, #tpu.memory_space<vmem>>) semaphore(%arg11 : memref<!tpu.dma_semaphore, #tpu.memory_space<semaphore_mem>>)
      %mul3A_60 = arith.constant 4 : i32
      %mul3A_61 = arith.muli %scan3A_20, %mul3A_60 : i32
      %add3A_62 = arith.constant 3 : i32
      %add3A_63 = arith.addi %mul3A_61, %add3A_62 : i32
      %dma_start3A_64 = arith.constant 384 : i32
      %dma_start3A_65 = arith.constant 0 : i32
      %dma_start3A_66 = tpu.memref_slice %arg8[%dma_start3A_64, %dma_start3A_65] : memref<512x16xf32, #tpu.memory_space<vmem>> -> memref<128x16xf32, #tpu.memory_space<vmem>>
      %dma_start3A_67 = arith.constant 0 : i32
      %dma_start3A_68 = tpu.memref_slice %arg7[%add3A_63, %dma_start3A_67] : memref<200x128xi32, #tpu.memory_space<vmem>> -> memref<1x128xi32, #tpu.memory_space<vmem>>
      %dma_start3A_69 = tpu.memref_squeeze %dma_start3A_68 : memref<1x128xi32, #tpu.memory_space<vmem>> -> memref<128xi32, #tpu.memory_space<vmem>>
      %dma_start3A_70 = arith.constant 0 : i32
      %dma_start3A_71 = arith.constant 0 : i32
      %dma_start3A_72 = tpu.memref_slice %arg2[%dma_start3A_70, %dma_start3A_71] : memref<100000x16xf32, #tpu.memory_space<hbm>> -> memref<100000x16xf32, #tpu.memory_space<hbm>>
      tpu.enqueue_indirect_dma source(%dma_start3A_72 : memref<100000x16xf32, #tpu.memory_space<hbm>>) target(%dma_start3A_66 : memref<128x16xf32, #tpu.memory_space<vmem>>) offsets(%dma_start3A_69 : memref<128xi32, #tpu.memory_space<vmem>>) semaphore(%arg11 : memref<!tpu.dma_semaphore, #tpu.memory_space<semaphore_mem>>)
      %dma_wait3A_73 = arith.constant 0 : i32
      %dma_wait3A_74 = arith.constant 0 : i32
      %dma_wait3A_75 = tpu.memref_slice %arg8[%dma_wait3A_73, %dma_wait3A_74] : memref<512x16xf32, #tpu.memory_space<vmem>> -> memref<128x16xf32, #tpu.memory_space<vmem>>
      %dma_wait3A_76 = arith.constant 0 : i32
      %dma_wait3A_77 = tpu.memref_slice %arg7[%add3A_24, %dma_wait3A_76] : memref<200x128xi32, #tpu.memory_space<vmem>> -> memref<1x128xi32, #tpu.memory_space<vmem>>
      %dma_wait3A_78 = tpu.memref_squeeze %dma_wait3A_77 : memref<1x128xi32, #tpu.memory_space<vmem>> -> memref<128xi32, #tpu.memory_space<vmem>>
      %dma_wait3A_79 = arith.constant 0 : i32
      %dma_wait3A_80 = arith.constant 0 : i32
      %dma_wait3A_81 = tpu.memref_slice %arg2[%dma_wait3A_79, %dma_wait3A_80] : memref<100000x16xf32, #tpu.memory_space<hbm>> -> memref<100000x16xf32, #tpu.memory_space<hbm>>
      tpu.wait_indirect_dma semaphore(%arg11 : memref<!tpu.dma_semaphore, #tpu.memory_space<semaphore_mem>>) src(%dma_wait3A_81 : memref<100000x16xf32, #tpu.memory_space<hbm>>) dst(%dma_wait3A_75 : memref<128x16xf32, #tpu.memory_space<vmem>>)
      %dma_wait3A_82 = arith.constant 128 : i32
      %dma_wait3A_83 = arith.constant 0 : i32
      %dma_wait3A_84 = tpu.memref_slice %arg8[%dma_wait3A_82, %dma_wait3A_83] : memref<512x16xf32, #tpu.memory_space<vmem>> -> memref<128x16xf32, #tpu.memory_space<vmem>>
      %dma_wait3A_85 = arith.constant 0 : i32
      %dma_wait3A_86 = tpu.memref_slice %arg7[%add3A_37, %dma_wait3A_85] : memref<200x128xi32, #tpu.memory_space<vmem>> -> memref<1x128xi32, #tpu.memory_space<vmem>>
      %dma_wait3A_87 = tpu.memref_squeeze %dma_wait3A_86 : memref<1x128xi32, #tpu.memory_space<vmem>> -> memref<128xi32, #tpu.memory_space<vmem>>
      %dma_wait3A_88 = arith.constant 0 : i32
      %dma_wait3A_89 = arith.constant 0 : i32
      %dma_wait3A_90 = tpu.memref_slice %arg2[%dma_wait3A_88, %dma_wait3A_89] : memref<100000x16xf32, #tpu.memory_space<hbm>> -> memref<100000x16xf32, #tpu.memory_space<hbm>>
      tpu.wait_indirect_dma semaphore(%arg11 : memref<!tpu.dma_semaphore, #tpu.memory_space<semaphore_mem>>) src(%dma_wait3A_90 : memref<100000x16xf32, #tpu.memory_space<hbm>>) dst(%dma_wait3A_84 : memref<128x16xf32, #tpu.memory_space<vmem>>)
      %dma_wait3A_91 = arith.constant 256 : i32
      %dma_wait3A_92 = arith.constant 0 : i32
      %dma_wait3A_93 = tpu.memref_slice %arg8[%dma_wait3A_91, %dma_wait3A_92] : memref<512x16xf32, #tpu.memory_space<vmem>> -> memref<128x16xf32, #tpu.memory_space<vmem>>
      %dma_wait3A_94 = arith.constant 0 : i32
      %dma_wait3A_95 = tpu.memref_slice %arg7[%add3A_50, %dma_wait3A_94] : memref<200x128xi32, #tpu.memory_space<vmem>> -> memref<1x128xi32, #tpu.memory_space<vmem>>
      %dma_wait3A_96 = tpu.memref_squeeze %dma_wait3A_95 : memref<1x128xi32, #tpu.memory_space<vmem>> -> memref<128xi32, #tpu.memory_space<vmem>>
      %dma_wait3A_97 = arith.constant 0 : i32
      %dma_wait3A_98 = arith.constant 0 : i32
      %dma_wait3A_99 = tpu.memref_slice %arg2[%dma_wait3A_97, %dma_wait3A_98] : memref<100000x16xf32, #tpu.memory_space<hbm>> -> memref<100000x16xf32, #tpu.memory_space<hbm>>
      tpu.wait_indirect_dma semaphore(%arg11 : memref<!tpu.dma_semaphore, #tpu.memory_space<semaphore_mem>>) src(%dma_wait3A_99 : memref<100000x16xf32, #tpu.memory_space<hbm>>) dst(%dma_wait3A_93 : memref<128x16xf32, #tpu.memory_space<vmem>>)
      %dma_wait3A_100 = arith.constant 384 : i32
      %dma_wait3A_101 = arith.constant 0 : i32
      %dma_wait3A_102 = tpu.memref_slice %arg8[%dma_wait3A_100, %dma_wait3A_101] : memref<512x16xf32, #tpu.memory_space<vmem>> -> memref<128x16xf32, #tpu.memory_space<vmem>>
      %dma_wait3A_103 = arith.constant 0 : i32
      %dma_wait3A_104 = tpu.memref_slice %arg7[%add3A_63, %dma_wait3A_103] : memref<200x128xi32, #tpu.memory_space<vmem>> -> memref<1x128xi32, #tpu.memory_space<vmem>>
      %dma_wait3A_105 = tpu.memref_squeeze %dma_wait3A_104 : memref<1x128xi32, #tpu.memory_space<vmem>> -> memref<128xi32, #tpu.memory_space<vmem>>
      %dma_wait3A_106 = arith.constant 0 : i32
      %dma_wait3A_107 = arith.constant 0 : i32
      %dma_wait3A_108 = tpu.memref_slice %arg2[%dma_wait3A_106, %dma_wait3A_107] : memref<100000x16xf32, #tpu.memory_space<hbm>> -> memref<100000x16xf32, #tpu.memory_space<hbm>>
      tpu.wait_indirect_dma semaphore(%arg11 : memref<!tpu.dma_semaphore, #tpu.memory_space<semaphore_mem>>) src(%dma_wait3A_108 : memref<100000x16xf32, #tpu.memory_space<hbm>>) dst(%dma_wait3A_102 : memref<128x16xf32, #tpu.memory_space<vmem>>)
      %mul3A_109 = arith.constant 200 : i32
      %mul3A_110 = arith.muli %add3A, %mul3A_109 : i32
      %mul3A_111 = arith.constant 4 : i32
      %mul3A_112 = arith.muli %scan3A_20, %mul3A_111 : i32
      %add3A_113 = arith.addi %mul3A_110, %mul3A_112 : i32
      %mul3A_114 = arith.constant 128 : i32
      %mul3A_115 = arith.muli %add3A_113, %mul3A_114 : i32
      "tpu.region"() ({
        %run_scoped3A = tpu.sem_alloc : memref<!tpu.dma_semaphore, #tpu.memory_space<semaphore_mem>>
        %dma_start3A_116 = arith.constant 0 : i32
        %dma_start3A_117 = tpu.memref_slice %arg5[%mul3A_115, %dma_start3A_116] : memref<819200x16xf32, #tpu.memory_space<hbm>> -> memref<512x16xf32, #tpu.memory_space<hbm>>
        %dma_start3A_118 = arith.constant 0 : i32
        %dma_start3A_119 = tpu.memref_slice %arg5[%mul3A_115, %dma_start3A_118] : memref<819200x16xf32, #tpu.memory_space<hbm>> -> memref<512x16xf32, #tpu.memory_space<hbm>>
        tpu.enqueue_dma source(%arg8 : memref<512x16xf32, #tpu.memory_space<vmem>>) target(%dma_start3A_119 : memref<512x16xf32, #tpu.memory_space<hbm>>) target_semaphore(%run_scoped3A : memref<!tpu.dma_semaphore, #tpu.memory_space<semaphore_mem>>)
        %dma_wait3A_120 = arith.constant 0 : i32
        %dma_wait3A_121 = tpu.memref_slice %arg5[%mul3A_115, %dma_wait3A_120] : memref<819200x16xf32, #tpu.memory_space<hbm>> -> memref<512x16xf32, #tpu.memory_space<hbm>>
        %dma_wait3A_122 = arith.constant 0 : i32
        %dma_wait3A_123 = tpu.memref_slice %arg5[%mul3A_115, %dma_wait3A_122] : memref<819200x16xf32, #tpu.memory_space<hbm>> -> memref<512x16xf32, #tpu.memory_space<hbm>>
        tpu.wait_dma2 semaphore(%run_scoped3A : memref<!tpu.dma_semaphore, #tpu.memory_space<semaphore_mem>>) src(%arg8 : memref<512x16xf32, #tpu.memory_space<vmem>>) dst(%dma_wait3A_123 : memref<512x16xf32, #tpu.memory_space<hbm>>)
        tpu.yield
      }) : () -> ()
    }
    %scan3A_5 = arith.constant 50 : i32
    "tpu.region"() ({
      %run_scoped3A = tpu.sem_alloc : memref<!tpu.dma_semaphore, #tpu.memory_space<semaphore_mem>>
      %dma_start3A_20 = arith.constant 0 : i32
      %dma_start3A_21 = arith.constant 0 : i32
      %dma_start3A_22 = tpu.memref_slice %arg4[%add3A, %dma_start3A_20, %dma_start3A_21] : memref<32x1x128xi32, #tpu.memory_space<hbm>> -> memref<1x1x128xi32, #tpu.memory_space<hbm>>
      %dma_start3A_23 = tpu.memref_squeeze %dma_start3A_22 : memref<1x1x128xi32, #tpu.memory_space<hbm>> -> memref<1x128xi32, #tpu.memory_space<hbm>>
      %dma_start3A_24 = arith.constant 0 : i32
      %dma_start3A_25 = arith.constant 0 : i32
      %dma_start3A_26 = tpu.memref_slice %arg4[%add3A, %dma_start3A_24, %dma_start3A_25] : memref<32x1x128xi32, #tpu.memory_space<hbm>> -> memref<1x1x128xi32, #tpu.memory_space<hbm>>
      %dma_start3A_27 = tpu.memref_squeeze %dma_start3A_26 : memref<1x1x128xi32, #tpu.memory_space<hbm>> -> memref<1x128xi32, #tpu.memory_space<hbm>>
      tpu.enqueue_dma source(%dma_start3A_27 : memref<1x128xi32, #tpu.memory_space<hbm>>) target(%arg9 : memref<1x128xi32, #tpu.memory_space<vmem>>) target_semaphore(%run_scoped3A : memref<!tpu.dma_semaphore, #tpu.memory_space<semaphore_mem>>)
      %dma_wait3A_28 = arith.constant 0 : i32
      %dma_wait3A_29 = arith.constant 0 : i32
      %dma_wait3A_30 = tpu.memref_slice %arg4[%add3A, %dma_wait3A_28, %dma_wait3A_29] : memref<32x1x128xi32, #tpu.memory_space<hbm>> -> memref<1x1x128xi32, #tpu.memory_space<hbm>>
      %dma_wait3A_31 = tpu.memref_squeeze %dma_wait3A_30 : memref<1x1x128xi32, #tpu.memory_space<hbm>> -> memref<1x128xi32, #tpu.memory_space<hbm>>
      %dma_wait3A_32 = arith.constant 0 : i32
      %dma_wait3A_33 = arith.constant 0 : i32
      %dma_wait3A_34 = tpu.memref_slice %arg4[%add3A, %dma_wait3A_32, %dma_wait3A_33] : memref<32x1x128xi32, #tpu.memory_space<hbm>> -> memref<1x1x128xi32, #tpu.memory_space<hbm>>
      %dma_wait3A_35 = tpu.memref_squeeze %dma_wait3A_34 : memref<1x1x128xi32, #tpu.memory_space<hbm>> -> memref<1x128xi32, #tpu.memory_space<hbm>>
      tpu.wait_dma2 semaphore(%run_scoped3A : memref<!tpu.dma_semaphore, #tpu.memory_space<semaphore_mem>>) src(%dma_wait3A_35 : memref<1x128xi32, #tpu.memory_space<hbm>>) dst(%arg9 : memref<1x128xi32, #tpu.memory_space<vmem>>)
      tpu.yield
    }) : () -> ()
    %dma_start3A = arith.constant 0 : i32
    %dma_start3A_6 = arith.constant 0 : i32
    %dma_start3A_7 = tpu.memref_slice %arg9[%dma_start3A, %dma_start3A_6] : memref<1x128xi32, #tpu.memory_space<vmem>> -> memref<1x128xi32, #tpu.memory_space<vmem>>
    %dma_start3A_8 = tpu.memref_squeeze %dma_start3A_7 : memref<1x128xi32, #tpu.memory_space<vmem>> -> memref<128xi32, #tpu.memory_space<vmem>>
    %dma_start3A_9 = arith.constant 0 : i32
    %dma_start3A_10 = arith.constant 0 : i32
    %dma_start3A_11 = tpu.memref_slice %arg2[%dma_start3A_9, %dma_start3A_10] : memref<100000x16xf32, #tpu.memory_space<hbm>> -> memref<100000x16xf32, #tpu.memory_space<hbm>>
    tpu.enqueue_indirect_dma source(%dma_start3A_11 : memref<100000x16xf32, #tpu.memory_space<hbm>>) target(%arg10 : memref<128x16xf32, #tpu.memory_space<vmem>>) offsets(%dma_start3A_8 : memref<128xi32, #tpu.memory_space<vmem>>) semaphore(%arg11 : memref<!tpu.dma_semaphore, #tpu.memory_space<semaphore_mem>>)
    %dma_wait3A = arith.constant 0 : i32
    %dma_wait3A_12 = arith.constant 0 : i32
    %dma_wait3A_13 = tpu.memref_slice %arg9[%dma_wait3A, %dma_wait3A_12] : memref<1x128xi32, #tpu.memory_space<vmem>> -> memref<1x128xi32, #tpu.memory_space<vmem>>
    %dma_wait3A_14 = tpu.memref_squeeze %dma_wait3A_13 : memref<1x128xi32, #tpu.memory_space<vmem>> -> memref<128xi32, #tpu.memory_space<vmem>>
    %dma_wait3A_15 = arith.constant 0 : i32
    %dma_wait3A_16 = arith.constant 0 : i32
    %dma_wait3A_17 = tpu.memref_slice %arg2[%dma_wait3A_15, %dma_wait3A_16] : memref<100000x16xf32, #tpu.memory_space<hbm>> -> memref<100000x16xf32, #tpu.memory_space<hbm>>
    tpu.wait_indirect_dma semaphore(%arg11 : memref<!tpu.dma_semaphore, #tpu.memory_space<semaphore_mem>>) src(%dma_wait3A_17 : memref<100000x16xf32, #tpu.memory_space<hbm>>) dst(%arg10 : memref<128x16xf32, #tpu.memory_space<vmem>>)
    %mul3A_18 = arith.constant 128 : i32
    %mul3A_19 = arith.muli %add3A, %mul3A_18 : i32
    "tpu.region"() ({
      %run_scoped3A = tpu.sem_alloc : memref<!tpu.dma_semaphore, #tpu.memory_space<semaphore_mem>>
      %dma_start3A_20 = arith.constant 0 : i32
      %dma_start3A_21 = tpu.memref_slice %arg6[%mul3A_19, %dma_start3A_20] : memref<4096x16xf32, #tpu.memory_space<hbm>> -> memref<128x16xf32, #tpu.memory_space<hbm>>
      %dma_start3A_22 = arith.constant 0 : i32
      %dma_start3A_23 = tpu.memref_slice %arg6[%mul3A_19, %dma_start3A_22] : memref<4096x16xf32, #tpu.memory_space<hbm>> -> memref<128x16xf32, #tpu.memory_space<hbm>>
      tpu.enqueue_dma source(%arg10 : memref<128x16xf32, #tpu.memory_space<vmem>>) target(%dma_start3A_23 : memref<128x16xf32, #tpu.memory_space<hbm>>) target_semaphore(%run_scoped3A : memref<!tpu.dma_semaphore, #tpu.memory_space<semaphore_mem>>)
      %dma_wait3A_24 = arith.constant 0 : i32
      %dma_wait3A_25 = tpu.memref_slice %arg6[%mul3A_19, %dma_wait3A_24] : memref<4096x16xf32, #tpu.memory_space<hbm>> -> memref<128x16xf32, #tpu.memory_space<hbm>>
      %dma_wait3A_26 = arith.constant 0 : i32
      %dma_wait3A_27 = tpu.memref_slice %arg6[%mul3A_19, %dma_wait3A_26] : memref<4096x16xf32, #tpu.memory_space<hbm>> -> memref<128x16xf32, #tpu.memory_space<hbm>>
      tpu.wait_dma2 semaphore(%run_scoped3A : memref<!tpu.dma_semaphore, #tpu.memory_space<semaphore_mem>>) src(%arg10 : memref<128x16xf32, #tpu.memory_space<vmem>>) dst(%dma_wait3A_27 : memref<128x16xf32, #tpu.memory_space<hbm>>)
      tpu.yield
    }) : () -> ()
    return
  }
}

module attributes {stable_mosaic.version = 14 : i64} {
  func.func @_tc_att_body(%arg0: i32, %arg1: memref<3200x128xf32, #tpu.memory_space<vmem>>, %arg2: memref<200x128xi32, #tpu.memory_space<vmem>>, %arg3: memref<128x16xf32, #tpu.memory_space<vmem>>, %arg4: memref<16x80xf32, #tpu.memory_space<vmem>>, %arg5: memref<1x80xf32, #tpu.memory_space<vmem>>, %arg6: memref<16x128xf32, #tpu.memory_space<vmem>>, %arg7: memref<80x640xf32, #tpu.memory_space<vmem>>, %arg8: memref<128x640xbf16, #tpu.memory_space<vmem>>, %arg9: memref<128x640xbf16, #tpu.memory_space<vmem>>, %arg10: memref<1x640xf32, #tpu.memory_space<vmem>>, %arg11: memref<640x320xbf16, #tpu.memory_space<vmem>>, %arg12: memref<1x320xf32, #tpu.memory_space<vmem>>, %arg13: memref<1x320xf32, #tpu.memory_space<vmem>>, %arg14: memref<320x8xbf16, #tpu.memory_space<vmem>>, %arg15: memref<1x8xf32, #tpu.memory_space<vmem>>, %arg16: memref<3200x128xbf16, #tpu.memory_space<vmem>>, %arg17: memref<3200x128xf32, #tpu.memory_space<vmem>>, %arg18: memref<3200x200xf32, #tpu.memory_space<vmem>>, %arg19: memref<128x3200xf32, #tpu.memory_space<vmem>>, %arg20: memref<3200x128xf32, #tpu.memory_space<vmem>>, %arg21: memref<128x8xf32, #tpu.memory_space<vmem>>, %arg22: memref<8x1xf32, #tpu.memory_space<vmem>>, %arg23: memref<8x128xf32, #tpu.memory_space<vmem>>, %arg24: memref<128x16xf32, #tpu.memory_space<vmem>>, %arg25: memref<128x16xf32, #tpu.memory_space<vmem>>) attributes {dimension_semantics = [#tpu.dimension_semantics<arbitrary>], iteration_bounds = array<i64: 32>, scalar_prefetch = 0 : i64, scratch_operands = 0 : i64, tpu.core_type = #tpu.core_type<tc>, window_params = [{transform_indices = @transform_0, window_bounds = array<i64: 3200, 128>}, {transform_indices = @transform_1, window_bounds = array<i64: 200, 128>}, {transform_indices = @transform_2, window_bounds = array<i64: 128, 16>}, {pipeline_mode = #tpu.pipeline_mode<synchronous>, transform_indices = @transform_3, window_bounds = array<i64: 16, 80>}, {pipeline_mode = #tpu.pipeline_mode<synchronous>, transform_indices = @transform_4, window_bounds = array<i64: 1, 80>}, {pipeline_mode = #tpu.pipeline_mode<synchronous>, transform_indices = @transform_5, window_bounds = array<i64: 16, 128>}, {pipeline_mode = #tpu.pipeline_mode<synchronous>, transform_indices = @transform_6, window_bounds = array<i64: 80, 640>}, {pipeline_mode = #tpu.pipeline_mode<synchronous>, transform_indices = @transform_7, window_bounds = array<i64: 128, 640>}, {pipeline_mode = #tpu.pipeline_mode<synchronous>, transform_indices = @transform_8, window_bounds = array<i64: 128, 640>}, {pipeline_mode = #tpu.pipeline_mode<synchronous>, transform_indices = @transform_9, window_bounds = array<i64: 1, 640>}, {pipeline_mode = #tpu.pipeline_mode<synchronous>, transform_indices = @transform_10, window_bounds = array<i64: 640, 320>}, {pipeline_mode = #tpu.pipeline_mode<synchronous>, transform_indices = @transform_11, window_bounds = array<i64: 1, 320>}, {pipeline_mode = #tpu.pipeline_mode<synchronous>, transform_indices = @transform_12, window_bounds = array<i64: 1, 320>}, {pipeline_mode = #tpu.pipeline_mode<synchronous>, transform_indices = @transform_13, window_bounds = array<i64: 320, 8>}, {pipeline_mode = #tpu.pipeline_mode<synchronous>, transform_indices = @transform_14, window_bounds = array<i64: 1, 8>}, {pipeline_mode = #tpu.pipeline_mode<synchronous>, transform_indices = @transform_15, window_bounds = array<i64: 3200, 128>}, {pipeline_mode = #tpu.pipeline_mode<synchronous>, transform_indices = @transform_16, window_bounds = array<i64: 3200, 128>}, {pipeline_mode = #tpu.pipeline_mode<synchronous>, transform_indices = @transform_17, window_bounds = array<i64: 3200, 200>}, {pipeline_mode = #tpu.pipeline_mode<synchronous>, transform_indices = @transform_18, window_bounds = array<i64: 128, 3200>}, {pipeline_mode = #tpu.pipeline_mode<synchronous>, transform_indices = @transform_19, window_bounds = array<i64: 3200, 128>}, {pipeline_mode = #tpu.pipeline_mode<synchronous>, transform_indices = @transform_20, window_bounds = array<i64: 128, 8>}, {pipeline_mode = #tpu.pipeline_mode<synchronous>, transform_indices = @transform_21, window_bounds = array<i64: 8, 1>}, {pipeline_mode = #tpu.pipeline_mode<synchronous>, transform_indices = @transform_22, window_bounds = array<i64: 8, 128>}, {pipeline_mode = #tpu.pipeline_mode<synchronous>, transform_indices = @transform_23, window_bounds = array<i64: 128, 16>}, {transform_indices = @transform_24, window_bounds = array<i64: 128, 16>}]} {
    %get3A = arith.constant 0 : index
    %get3A_0 = arith.constant 0 : index
    %get3A_1 = vector.load %arg3[%get3A, %get3A_0] : memref<128x16xf32, #tpu.memory_space<vmem>>, vector<128x16xf32>
    %get3A_2 = arith.constant 0 : index
    %get3A_3 = arith.constant 0 : index
    %get3A_4 = vector.load %arg1[%get3A_2, %get3A_3] : memref<3200x128xf32, #tpu.memory_space<vmem>>, vector<3200x128xf32>
    %get3A_5 = arith.constant 0 : index
    %get3A_6 = arith.constant 0 : index
    %get3A_7 = vector.load %arg4[%get3A_5, %get3A_6] : memref<16x80xf32, #tpu.memory_space<vmem>>, vector<16x80xf32>
    %dot_general3A = arith.constant dense<0.000000e+00> : vector<128x80xf32>
    %dot_general3A_8 = tpu.matmul %get3A_1, %get3A_7, %dot_general3A {dimension_numbers = #tpu.dot_dimension_numbers<[1], [0], [0], [1], [0, 0, 1, 1], [], []>, transpose_lhs_hint = false} : vector<128x16xf32>, vector<16x80xf32>, vector<128x80xf32> -> vector<128x80xf32>
    %get3A_9 = arith.constant 0 : index
    %get3A_10 = arith.constant 0 : index
    %get3A_11 = vector.load %arg5[%get3A_9, %get3A_10] : memref<1x80xf32, #tpu.memory_space<vmem>>, vector<1x80xf32>
    %add3A = vector.broadcast %get3A_11 : vector<1x80xf32> to vector<128x80xf32>
    %add3A_12 = arith.addf %dot_general3A_8, %add3A : vector<128x80xf32>
    %get3A_13 = arith.constant 0 : index
    %get3A_14 = arith.constant 0 : index
    %get3A_15 = vector.load %arg7[%get3A_13, %get3A_14] : memref<80x640xf32, #tpu.memory_space<vmem>>, vector<80x640xf32>
    %dot_general3A_16 = arith.constant dense<0.000000e+00> : vector<128x640xf32>
    %dot_general3A_17 = tpu.matmul %add3A_12, %get3A_15, %dot_general3A_16 {dimension_numbers = #tpu.dot_dimension_numbers<[1], [0], [0], [1], [0, 0, 1, 1], [], []>, transpose_lhs_hint = false} : vector<128x80xf32>, vector<80x640xf32>, vector<128x640xf32> -> vector<128x640xf32>
    %get3A_18 = arith.constant 0 : index
    %get3A_19 = arith.constant 0 : index
    %get3A_20 = vector.load %arg6[%get3A_18, %get3A_19] : memref<16x128xf32, #tpu.memory_space<vmem>>, vector<16x128xf32>
    %dot_general3A_21 = arith.constant dense<0.000000e+00> : vector<128x128xf32>
    %dot_general3A_22 = tpu.matmul %get3A_1, %get3A_20, %dot_general3A_21 {dimension_numbers = #tpu.dot_dimension_numbers<[1], [0], [0], [1], [0, 0, 1, 1], [], []>, transpose_lhs_hint = false} : vector<128x16xf32>, vector<16x128xf32>, vector<128x128xf32> -> vector<128x128xf32>
    %concatenate3A = tpu.concatenate %dot_general3A_17, %dot_general3A_22 in 1 : vector<128x640xf32>, vector<128x128xf32> -> vector<128x768xf32>
    %get3A_23 = arith.constant 0 : index
    %get3A_24 = arith.constant 0 : index
    %get3A_25 = vector.load %arg16[%get3A_23, %get3A_24] : memref<3200x128xbf16, #tpu.memory_space<vmem>>, vector<3200x128xbf16>
    %convert_element_type3A = arith.truncf %concatenate3A : vector<128x768xf32> to vector<128x768xbf16>
    %dot_general3A_26 = arith.constant dense<0.000000e+00> : vector<3200x768xf32>
    %dot_general3A_27 = tpu.matmul %get3A_25, %convert_element_type3A, %dot_general3A_26 {dimension_numbers = #tpu.dot_dimension_numbers<[1], [0], [0], [1], [0, 0, 1, 1], [], []>, transpose_lhs_hint = false} : vector<3200x128xbf16>, vector<128x768xbf16>, vector<3200x768xf32> -> vector<3200x768xf32>
    %slice3A = vector.extract_strided_slice %dot_general3A_27 {offsets = [0, 0], sizes = [3200, 640], strides = [1, 1]} : vector<3200x768xf32> to vector<3200x640xf32>
    %slice3A_28 = vector.extract_strided_slice %dot_general3A_27 {offsets = [0, 640], sizes = [3200, 128], strides = [1, 1]} : vector<3200x768xf32> to vector<3200x128xf32>
    %convert_element_type3A_29 = arith.truncf %get3A_4 : vector<3200x128xf32> to vector<3200x128xbf16>
    %get3A_30 = arith.constant 0 : index
    %get3A_31 = arith.constant 0 : index
    %get3A_32 = vector.load %arg8[%get3A_30, %get3A_31] : memref<128x640xbf16, #tpu.memory_space<vmem>>, vector<128x640xbf16>
    %dot_general3A_33 = arith.constant dense<0.000000e+00> : vector<3200x640xf32>
    %dot_general3A_34 = tpu.matmul %convert_element_type3A_29, %get3A_32, %dot_general3A_33 {dimension_numbers = #tpu.dot_dimension_numbers<[1], [0], [0], [1], [0, 0, 1, 1], [], []>, transpose_lhs_hint = false} : vector<3200x128xbf16>, vector<128x640xbf16>, vector<3200x640xf32> -> vector<3200x640xf32>
    %add3A_35 = arith.addf %slice3A, %dot_general3A_34 : vector<3200x640xf32>
    %mul3A = arith.mulf %slice3A_28, %get3A_4 : vector<3200x128xf32>
    %convert_element_type3A_36 = arith.truncf %mul3A : vector<3200x128xf32> to vector<3200x128xbf16>
    %get3A_37 = arith.constant 0 : index
    %get3A_38 = arith.constant 0 : index
    %get3A_39 = vector.load %arg9[%get3A_37, %get3A_38] : memref<128x640xbf16, #tpu.memory_space<vmem>>, vector<128x640xbf16>
    %dot_general3A_40 = arith.constant dense<0.000000e+00> : vector<3200x640xf32>
    %dot_general3A_41 = tpu.matmul %convert_element_type3A_36, %get3A_39, %dot_general3A_40 {dimension_numbers = #tpu.dot_dimension_numbers<[1], [0], [0], [1], [0, 0, 1, 1], [], []>, transpose_lhs_hint = false} : vector<3200x128xbf16>, vector<128x640xbf16>, vector<3200x640xf32> -> vector<3200x640xf32>
    %add3A_42 = arith.addf %add3A_35, %dot_general3A_41 : vector<3200x640xf32>
    %get3A_43 = arith.constant 0 : index
    %get3A_44 = arith.constant 0 : index
    %get3A_45 = vector.load %arg10[%get3A_43, %get3A_44] : memref<1x640xf32, #tpu.memory_space<vmem>>, vector<1x640xf32>
    %gt3A = arith.constant 0.000000e+00 : f32
    %gt3A_46 = vector.broadcast %gt3A : f32 to vector<3200x640xf32>
    %gt3A_47 = arith.cmpf ogt, %add3A_42, %gt3A_46 : vector<3200x640xf32>
    %mul3A_48 = vector.broadcast %get3A_45 : vector<1x640xf32> to vector<3200x640xf32>
    %mul3A_49 = arith.mulf %mul3A_48, %add3A_42 : vector<3200x640xf32>
    %select_n3A = arith.select %gt3A_47, %add3A_42, %mul3A_49 : vector<3200x640xi1>, vector<3200x640xf32>
    %convert_element_type3A_50 = arith.truncf %select_n3A : vector<3200x640xf32> to vector<3200x640xbf16>
    %get3A_51 = arith.constant 0 : index
    %get3A_52 = arith.constant 0 : index
    %get3A_53 = vector.load %arg11[%get3A_51, %get3A_52] : memref<640x320xbf16, #tpu.memory_space<vmem>>, vector<640x320xbf16>
    %dot_general3A_54 = arith.constant dense<0.000000e+00> : vector<3200x320xf32>
    %dot_general3A_55 = tpu.matmul %convert_element_type3A_50, %get3A_53, %dot_general3A_54 {dimension_numbers = #tpu.dot_dimension_numbers<[1], [0], [0], [1], [0, 0, 1, 1], [], []>, transpose_lhs_hint = false} : vector<3200x640xbf16>, vector<640x320xbf16>, vector<3200x320xf32> -> vector<3200x320xf32>
    %get3A_56 = arith.constant 0 : index
    %get3A_57 = arith.constant 0 : index
    %get3A_58 = vector.load %arg12[%get3A_56, %get3A_57] : memref<1x320xf32, #tpu.memory_space<vmem>>, vector<1x320xf32>
    %add3A_59 = vector.broadcast %get3A_58 : vector<1x320xf32> to vector<3200x320xf32>
    %add3A_60 = arith.addf %dot_general3A_55, %add3A_59 : vector<3200x320xf32>
    %get3A_61 = arith.constant 0 : index
    %get3A_62 = arith.constant 0 : index
    %get3A_63 = vector.load %arg13[%get3A_61, %get3A_62] : memref<1x320xf32, #tpu.memory_space<vmem>>, vector<1x320xf32>
    %gt3A_64 = arith.constant 0.000000e+00 : f32
    %gt3A_65 = vector.broadcast %gt3A_64 : f32 to vector<3200x320xf32>
    %gt3A_66 = arith.cmpf ogt, %add3A_60, %gt3A_65 : vector<3200x320xf32>
    %mul3A_67 = vector.broadcast %get3A_63 : vector<1x320xf32> to vector<3200x320xf32>
    %mul3A_68 = arith.mulf %mul3A_67, %add3A_60 : vector<3200x320xf32>
    %select_n3A_69 = arith.select %gt3A_66, %add3A_60, %mul3A_68 : vector<3200x320xi1>, vector<3200x320xf32>
    %convert_element_type3A_70 = arith.truncf %select_n3A_69 : vector<3200x320xf32> to vector<3200x320xbf16>
    %get3A_71 = arith.constant 0 : index
    %get3A_72 = arith.constant 0 : index
    %get3A_73 = vector.load %arg14[%get3A_71, %get3A_72] : memref<320x8xbf16, #tpu.memory_space<vmem>>, vector<320x8xbf16>
    %dot_general3A_74 = arith.constant dense<0.000000e+00> : vector<3200x8xf32>
    %dot_general3A_75 = tpu.matmul %convert_element_type3A_70, %get3A_73, %dot_general3A_74 {dimension_numbers = #tpu.dot_dimension_numbers<[1], [0], [0], [1], [0, 0, 1, 1], [], []>, transpose_lhs_hint = false} : vector<3200x320xbf16>, vector<320x8xbf16>, vector<3200x8xf32> -> vector<3200x8xf32>
    %get3A_76 = arith.constant 0 : index
    %get3A_77 = arith.constant 0 : index
    %get3A_78 = vector.load %arg15[%get3A_76, %get3A_77] : memref<1x8xf32, #tpu.memory_space<vmem>>, vector<1x8xf32>
    %add3A_79 = vector.broadcast %get3A_78 : vector<1x8xf32> to vector<3200x8xf32>
    %add3A_80 = arith.addf %dot_general3A_75, %add3A_79 : vector<3200x8xf32>
    %get3A_81 = arith.constant 0 : index
    %get3A_82 = arith.constant 0 : index
    %get3A_83 = vector.load %arg2[%get3A_81, %get3A_82] : memref<200x128xi32, #tpu.memory_space<vmem>>, vector<200x128xi32>
    %eq3A = arith.constant 0 : i32
    %eq3A_84 = vector.broadcast %eq3A : i32 to vector<200x128xi32>
    %eq3A_85 = arith.cmpi eq, %get3A_83, %eq3A_84 : vector<200x128xi32>
    %jit3A = arith.constant -4.2949673E+9 : f32
    %jit3A_86 = arith.constant 0.000000e+00 : f32
    %broadcast_in_dim3A = vector.broadcast %jit3A : f32 to vector<200x128xf32>
    %broadcast_in_dim3A_87 = vector.broadcast %jit3A_86 : f32 to vector<200x128xf32>
    %select_n3A_88 = arith.select %eq3A_85, %broadcast_in_dim3A, %broadcast_in_dim3A_87 : vector<200x128xi1>, vector<200x128xf32>
    %get3A_89 = arith.constant 0 : index
    %get3A_90 = arith.constant 0 : index
    %get3A_91 = vector.load %arg18[%get3A_89, %get3A_90] : memref<3200x200xf32, #tpu.memory_space<vmem>>, vector<3200x200xf32>
    %dot_general3A_92 = arith.constant dense<0.000000e+00> : vector<3200x128xf32>
    %dot_general3A_93 = tpu.matmul %get3A_91, %select_n3A_88, %dot_general3A_92 {dimension_numbers = #tpu.dot_dimension_numbers<[1], [0], [0], [1], [0, 0, 1, 1], [], []>, transpose_lhs_hint = false} : vector<3200x200xf32>, vector<200x128xf32>, vector<3200x128xf32> -> vector<3200x128xf32>
    %get3A_94 = arith.constant 0 : index
    %get3A_95 = arith.constant 0 : index
    %get3A_96 = vector.load %arg20[%get3A_94, %get3A_95] : memref<3200x128xf32, #tpu.memory_space<vmem>>, vector<3200x128xf32>
    %mul3A_97 = arith.mulf %get3A_96, %dot_general3A_93 : vector<3200x128xf32>
    %get3A_98 = arith.constant 0 : index
    %get3A_99 = arith.constant 0 : index
    %get3A_100 = vector.load %arg21[%get3A_98, %get3A_99] : memref<128x8xf32, #tpu.memory_space<vmem>>, vector<128x8xf32>
    %dot_general3A_101 = arith.constant dense<0.000000e+00> : vector<3200x8xf32>
    %dot_general3A_102 = tpu.matmul %mul3A_97, %get3A_100, %dot_general3A_101 {dimension_numbers = #tpu.dot_dimension_numbers<[1], [0], [0], [1], [0, 0, 1, 1], [], []>, transpose_lhs_hint = false} : vector<3200x128xf32>, vector<128x8xf32>, vector<3200x8xf32> -> vector<3200x8xf32>
    %add3A_103 = arith.addf %add3A_80, %dot_general3A_102 : vector<3200x8xf32>
    %reshape3A = vector.shape_cast %add3A_103 : vector<3200x8xf32> to vector<128x25x8xf32>
    %reduce_max3A = arith.constant dense<0xFF800000> : vector<128x8xf32>
    %reduce_max3A_104 = vector.multi_reduction <maximumf>, %reshape3A, %reduce_max3A [1] : vector<128x25x8xf32> to vector<128x8xf32>
    %roll3A = arith.constant 4 : i32
    %roll3A_105 = tpu.dynamic_rotate %reduce_max3A_104 by %roll3A dim 1 : vector<128x8xf32>, i32 -> vector<128x8xf32>
    %max3A = arith.maximumf %reduce_max3A_104, %roll3A_105 : vector<128x8xf32>
    %roll3A_106 = arith.constant 2 : i32
    %roll3A_107 = tpu.dynamic_rotate %max3A by %roll3A_106 dim 1 : vector<128x8xf32>, i32 -> vector<128x8xf32>
    %max3A_108 = arith.maximumf %max3A, %roll3A_107 : vector<128x8xf32>
    %roll3A_109 = arith.constant 1 : i32
    %roll3A_110 = tpu.dynamic_rotate %max3A_108 by %roll3A_109 dim 1 : vector<128x8xf32>, i32 -> vector<128x8xf32>
    %max3A_111 = arith.maximumf %max3A_108, %roll3A_110 : vector<128x8xf32>
    %get3A_112 = arith.constant 0 : index
    %get3A_113 = arith.constant 0 : index
    %get3A_114 = vector.load %arg17[%get3A_112, %get3A_113] : memref<3200x128xf32, #tpu.memory_space<vmem>>, vector<3200x128xf32>
    %dot_general3A_115 = arith.constant dense<0.000000e+00> : vector<3200x8xf32>
    %dot_general3A_116 = tpu.matmul %get3A_114, %max3A_111, %dot_general3A_115 {dimension_numbers = #tpu.dot_dimension_numbers<[1], [0], [0], [1], [0, 0, 1, 1], [], []>, transpose_lhs_hint = false} : vector<3200x128xf32>, vector<128x8xf32>, vector<3200x8xf32> -> vector<3200x8xf32>
    %sub3A = arith.subf %add3A_103, %dot_general3A_116 : vector<3200x8xf32>
    %exp3A = math.exp %sub3A : vector<3200x8xf32>
    %get3A_117 = arith.constant 0 : index
    %get3A_118 = arith.constant 0 : index
    %get3A_119 = vector.load %arg19[%get3A_117, %get3A_118] : memref<128x3200xf32, #tpu.memory_space<vmem>>, vector<128x3200xf32>
    %get3A_120 = arith.constant 0 : index
    %get3A_121 = arith.constant 0 : index
    %get3A_122 = vector.load %arg22[%get3A_120, %get3A_121] : memref<8x1xf32, #tpu.memory_space<vmem>>, vector<8x1xf32>
    %dot_general3A_123 = arith.constant dense<0.000000e+00> : vector<3200x1xf32>
    %dot_general3A_124 = tpu.matmul %exp3A, %get3A_122, %dot_general3A_123 {dimension_numbers = #tpu.dot_dimension_numbers<[1], [0], [0], [1], [0, 0, 1, 1], [], []>, transpose_lhs_hint = false} : vector<3200x8xf32>, vector<8x1xf32>, vector<3200x1xf32> -> vector<3200x1xf32>
    %dot_general3A_125 = arith.constant dense<0.000000e+00> : vector<128x1xf32>
    %dot_general3A_126 = tpu.matmul %get3A_119, %dot_general3A_124, %dot_general3A_125 {dimension_numbers = #tpu.dot_dimension_numbers<[1], [0], [0], [1], [0, 0, 1, 1], [], []>, transpose_lhs_hint = false} : vector<128x3200xf32>, vector<3200x1xf32>, vector<128x1xf32> -> vector<128x1xf32>
    %get3A_127 = arith.constant 0 : index
    %get3A_128 = arith.constant 0 : index
    %get3A_129 = vector.load %arg23[%get3A_127, %get3A_128] : memref<8x128xf32, #tpu.memory_space<vmem>>, vector<8x128xf32>
    %dot_general3A_130 = arith.constant dense<0.000000e+00> : vector<3200x128xf32>
    %dot_general3A_131 = tpu.matmul %exp3A, %get3A_129, %dot_general3A_130 {dimension_numbers = #tpu.dot_dimension_numbers<[1], [0], [0], [1], [0, 0, 1, 1], [], []>, transpose_lhs_hint = false} : vector<3200x8xf32>, vector<8x128xf32>, vector<3200x128xf32> -> vector<3200x128xf32>
    %get3A_132 = arith.constant 0 : index
    %get3A_133 = arith.constant 0 : index
    %get3A_134 = vector.load %arg19[%get3A_132, %get3A_133] : memref<128x3200xf32, #tpu.memory_space<vmem>>, vector<128x3200xf32>
    %mul3A_135 = arith.mulf %dot_general3A_131, %get3A_4 : vector<3200x128xf32>
    %dot_general3A_136 = arith.constant dense<0.000000e+00> : vector<128x128xf32>
    %dot_general3A_137 = tpu.matmul %get3A_134, %mul3A_135, %dot_general3A_136 {dimension_numbers = #tpu.dot_dimension_numbers<[1], [0], [0], [1], [0, 0, 1, 1], [], []>, transpose_lhs_hint = false} : vector<128x3200xf32>, vector<3200x128xf32>, vector<128x128xf32> -> vector<128x128xf32>
    %get3A_138 = arith.constant 0 : index
    %get3A_139 = arith.constant 0 : index
    %get3A_140 = vector.load %arg24[%get3A_138, %get3A_139] : memref<128x16xf32, #tpu.memory_space<vmem>>, vector<128x16xf32>
    %dot_general3A_141 = arith.constant dense<0.000000e+00> : vector<128x16xf32>
    %dot_general3A_142 = tpu.matmul %dot_general3A_137, %get3A_140, %dot_general3A_141 {dimension_numbers = #tpu.dot_dimension_numbers<[1], [0], [0], [1], [0, 0, 1, 1], [], []>, transpose_lhs_hint = false} : vector<128x128xf32>, vector<128x16xf32>, vector<128x16xf32> -> vector<128x16xf32>
    %div3A = vector.broadcast %dot_general3A_126 : vector<128x1xf32> to vector<128x16xf32>
    %div3A_143 = arith.divf %dot_general3A_142, %div3A : vector<128x16xf32>
    %swap3A = arith.constant 0 : index
    %swap3A_144 = arith.constant 0 : index
    %swap3A_145 = vector.load %arg25[%swap3A, %swap3A_144] : memref<128x16xf32, #tpu.memory_space<vmem>>, vector<128x16xf32>
    tpu.vector_store %arg25[%swap3A, %swap3A_144], %div3A_143 {strides = array<i32>} : memref<128x16xf32, #tpu.memory_space<vmem>>, vector<128x16xf32>,
    return
  }
  func.func @transform_0(%arg0: i32) -> (i32, i32) {
    %c0_i32 = arith.constant 0 : i32
    %c0_i32_0 = arith.constant 0 : i32
    return %arg0, %c0_i32 : i32, i32
  }
  func.func @transform_1(%arg0: i32) -> (i32, i32) {
    %add3A = arith.constant 0 : i32
    %add3A_0 = arith.addi %arg0, %add3A : i32
    %c0_i32 = arith.constant 0 : i32
    %c0_i32_1 = arith.constant 0 : i32
    return %add3A_0, %c0_i32 : i32, i32
  }
  func.func @transform_2(%arg0: i32) -> (i32, i32) {
    %add3A = arith.constant 0 : i32
    %add3A_0 = arith.addi %arg0, %add3A : i32
    %c0_i32 = arith.constant 0 : i32
    %c0_i32_1 = arith.constant 0 : i32
    return %add3A_0, %c0_i32 : i32, i32
  }
  func.func @transform_3(%arg0: i32) -> (i32, i32) {
    %c0_i32 = arith.constant 0 : i32
    %c0_i32_0 = arith.constant 0 : i32
    %c0_i32_1 = arith.constant 0 : i32
    return %c0_i32, %c0_i32_0 : i32, i32
  }
  func.func @transform_4(%arg0: i32) -> (i32, i32) {
    %c0_i32 = arith.constant 0 : i32
    %c0_i32_0 = arith.constant 0 : i32
    %c0_i32_1 = arith.constant 0 : i32
    return %c0_i32, %c0_i32_0 : i32, i32
  }
  func.func @transform_5(%arg0: i32) -> (i32, i32) {
    %c0_i32 = arith.constant 0 : i32
    %c0_i32_0 = arith.constant 0 : i32
    %c0_i32_1 = arith.constant 0 : i32
    return %c0_i32, %c0_i32_0 : i32, i32
  }
  func.func @transform_6(%arg0: i32) -> (i32, i32) {
    %c0_i32 = arith.constant 0 : i32
    %c0_i32_0 = arith.constant 0 : i32
    %c0_i32_1 = arith.constant 0 : i32
    return %c0_i32, %c0_i32_0 : i32, i32
  }
  func.func @transform_7(%arg0: i32) -> (i32, i32) {
    %c0_i32 = arith.constant 0 : i32
    %c0_i32_0 = arith.constant 0 : i32
    %c0_i32_1 = arith.constant 0 : i32
    return %c0_i32, %c0_i32_0 : i32, i32
  }
  func.func @transform_8(%arg0: i32) -> (i32, i32) {
    %c0_i32 = arith.constant 0 : i32
    %c0_i32_0 = arith.constant 0 : i32
    %c0_i32_1 = arith.constant 0 : i32
    return %c0_i32, %c0_i32_0 : i32, i32
  }
  func.func @transform_9(%arg0: i32) -> (i32, i32) {
    %c0_i32 = arith.constant 0 : i32
    %c0_i32_0 = arith.constant 0 : i32
    %c0_i32_1 = arith.constant 0 : i32
    return %c0_i32, %c0_i32_0 : i32, i32
  }
  func.func @transform_10(%arg0: i32) -> (i32, i32) {
    %c0_i32 = arith.constant 0 : i32
    %c0_i32_0 = arith.constant 0 : i32
    %c0_i32_1 = arith.constant 0 : i32
    return %c0_i32, %c0_i32_0 : i32, i32
  }
  func.func @transform_11(%arg0: i32) -> (i32, i32) {
    %c0_i32 = arith.constant 0 : i32
    %c0_i32_0 = arith.constant 0 : i32
    %c0_i32_1 = arith.constant 0 : i32
    return %c0_i32, %c0_i32_0 : i32, i32
  }
  func.func @transform_12(%arg0: i32) -> (i32, i32) {
    %c0_i32 = arith.constant 0 : i32
    %c0_i32_0 = arith.constant 0 : i32
    %c0_i32_1 = arith.constant 0 : i32
    return %c0_i32, %c0_i32_0 : i32, i32
  }
  func.func @transform_13(%arg0: i32) -> (i32, i32) {
    %c0_i32 = arith.constant 0 : i32
    %c0_i32_0 = arith.constant 0 : i32
    %c0_i32_1 = arith.constant 0 : i32
    return %c0_i32, %c0_i32_0 : i32, i32
  }
  func.func @transform_14(%arg0: i32) -> (i32, i32) {
    %c0_i32 = arith.constant 0 : i32
    %c0_i32_0 = arith.constant 0 : i32
    %c0_i32_1 = arith.constant 0 : i32
    return %c0_i32, %c0_i32_0 : i32, i32
  }
  func.func @transform_15(%arg0: i32) -> (i32, i32) {
    %c0_i32 = arith.constant 0 : i32
    %c0_i32_0 = arith.constant 0 : i32
    %c0_i32_1 = arith.constant 0 : i32
    return %c0_i32, %c0_i32_0 : i32, i32
  }
  func.func @transform_16(%arg0: i32) -> (i32, i32) {
    %c0_i32 = arith.constant 0 : i32
    %c0_i32_0 = arith.constant 0 : i32
    %c0_i32_1 = arith.constant 0 : i32
    return %c0_i32, %c0_i32_0 : i32, i32
  }
  func.func @transform_17(%arg0: i32) -> (i32, i32) {
    %c0_i32 = arith.constant 0 : i32
    %c0_i32_0 = arith.constant 0 : i32
    %c0_i32_1 = arith.constant 0 : i32
    return %c0_i32, %c0_i32_0 : i32, i32
  }
  func.func @transform_18(%arg0: i32) -> (i32, i32) {
    %c0_i32 = arith.constant 0 : i32
    %c0_i32_0 = arith.constant 0 : i32
    %c0_i32_1 = arith.constant 0 : i32
    return %c0_i32, %c0_i32_0 : i32, i32
  }
  func.func @transform_19(%arg0: i32) -> (i32, i32) {
    %c0_i32 = arith.constant 0 : i32
    %c0_i32_0 = arith.constant 0 : i32
    %c0_i32_1 = arith.constant 0 : i32
    return %c0_i32, %c0_i32_0 : i32, i32
  }
  func.func @transform_20(%arg0: i32) -> (i32, i32) {
    %c0_i32 = arith.constant 0 : i32
    %c0_i32_0 = arith.constant 0 : i32
    %c0_i32_1 = arith.constant 0 : i32
    return %c0_i32, %c0_i32_0 : i32, i32
  }
  func.func @transform_21(%arg0: i32) -> (i32, i32) {
    %c0_i32 = arith.constant 0 : i32
    %c0_i32_0 = arith.constant 0 : i32
    %c0_i32_1 = arith.constant 0 : i32
    return %c0_i32, %c0_i32_0 : i32, i32
  }
  func.func @transform_22(%arg0: i32) -> (i32, i32) {
    %c0_i32 = arith.constant 0 : i32
    %c0_i32_0 = arith.constant 0 : i32
    %c0_i32_1 = arith.constant 0 : i32
    return %c0_i32, %c0_i32_0 : i32, i32
  }
  func.func @transform_23(%arg0: i32) -> (i32, i32) {
    %c0_i32 = arith.constant 0 : i32
    %c0_i32_0 = arith.constant 0 : i32
    %c0_i32_1 = arith.constant 0 : i32
    return %c0_i32, %c0_i32_0 : i32, i32
  }
  func.func @transform_24(%arg0: i32) -> (i32, i32) {
    %c0_i32 = arith.constant 0 : i32
    %c0_i32_0 = arith.constant 0 : i32
    return %arg0, %c0_i32 : i32, i32
  }
}

module attributes {stable_mosaic.version = 14 : i64} {
  func.func @_tc_ffn_body(%arg0: i32, %arg1: memref<128x16xf32, #tpu.memory_space<vmem>>, %arg2: memref<128x16xf32, #tpu.memory_space<vmem>>, %arg3: memref<128x13xf32, #tpu.memory_space<vmem>>, %arg4: memref<128x400xf32, #tpu.memory_space<vmem>>, %arg5: memref<16x80xf32, #tpu.memory_space<vmem>>, %arg6: memref<16x80xf32, #tpu.memory_space<vmem>>, %arg7: memref<13x80xf32, #tpu.memory_space<vmem>>, %arg8: memref<400x80xf32, #tpu.memory_space<vmem>>, %arg9: memref<1x80xf32, #tpu.memory_space<vmem>>, %arg10: memref<1x80xf32, #tpu.memory_space<vmem>>, %arg11: memref<80x40xf32, #tpu.memory_space<vmem>>, %arg12: memref<1x40xf32, #tpu.memory_space<vmem>>, %arg13: memref<1x40xf32, #tpu.memory_space<vmem>>, %arg14: memref<40x1xf32, #tpu.memory_space<vmem>>, %arg15: memref<1x1xf32, #tpu.memory_space<vmem>>, %arg16: memref<128x1xf32, #tpu.memory_space<vmem>>) attributes {dimension_semantics = [#tpu.dimension_semantics<arbitrary>], iteration_bounds = array<i64: 32>, scalar_prefetch = 0 : i64, scratch_operands = 0 : i64, tpu.core_type = #tpu.core_type<tc>, window_params = [{transform_indices = @transform_0, window_bounds = array<i64: 128, 16>}, {transform_indices = @transform_1, window_bounds = array<i64: 128, 16>}, {transform_indices = @transform_2, window_bounds = array<i64: 128, 13>}, {transform_indices = @transform_3, window_bounds = array<i64: 128, 400>}, {pipeline_mode = #tpu.pipeline_mode<synchronous>, transform_indices = @transform_4, window_bounds = array<i64: 16, 80>}, {pipeline_mode = #tpu.pipeline_mode<synchronous>, transform_indices = @transform_5, window_bounds = array<i64: 16, 80>}, {pipeline_mode = #tpu.pipeline_mode<synchronous>, transform_indices = @transform_6, window_bounds = array<i64: 13, 80>}, {pipeline_mode = #tpu.pipeline_mode<synchronous>, transform_indices = @transform_7, window_bounds = array<i64: 400, 80>}, {pipeline_mode = #tpu.pipeline_mode<synchronous>, transform_indices = @transform_8, window_bounds = array<i64: 1, 80>}, {pipeline_mode = #tpu.pipeline_mode<synchronous>, transform_indices = @transform_9, window_bounds = array<i64: 1, 80>}, {pipeline_mode = #tpu.pipeline_mode<synchronous>, transform_indices = @transform_10, window_bounds = array<i64: 80, 40>}, {pipeline_mode = #tpu.pipeline_mode<synchronous>, transform_indices = @transform_11, window_bounds = array<i64: 1, 40>}, {pipeline_mode = #tpu.pipeline_mode<synchronous>, transform_indices = @transform_12, window_bounds = array<i64: 1, 40>}, {pipeline_mode = #tpu.pipeline_mode<synchronous>, transform_indices = @transform_13, window_bounds = array<i64: 40, 1>}, {pipeline_mode = #tpu.pipeline_mode<synchronous>, transform_indices = @transform_14, window_bounds = array<i64: 1, 1>}, {transform_indices = @transform_15, window_bounds = array<i64: 128, 1>}]} {
    %get3A = arith.constant 0 : index
    %get3A_0 = arith.constant 0 : index
    %get3A_1 = vector.load %arg1[%get3A, %get3A_0] : memref<128x16xf32, #tpu.memory_space<vmem>>, vector<128x16xf32>
    %get3A_2 = arith.constant 0 : index
    %get3A_3 = arith.constant 0 : index
    %get3A_4 = vector.load %arg5[%get3A_2, %get3A_3] : memref<16x80xf32, #tpu.memory_space<vmem>>, vector<16x80xf32>
    %dot_general3A = arith.constant dense<0.000000e+00> : vector<128x80xf32>
    %dot_general3A_5 = tpu.matmul %get3A_1, %get3A_4, %dot_general3A {dimension_numbers = #tpu.dot_dimension_numbers<[1], [0], [0], [1], [0, 0, 1, 1], [], []>, transpose_lhs_hint = false} : vector<128x16xf32>, vector<16x80xf32>, vector<128x80xf32> -> vector<128x80xf32>
    %get3A_6 = arith.constant 0 : index
    %get3A_7 = arith.constant 0 : index
    %get3A_8 = vector.load %arg2[%get3A_6, %get3A_7] : memref<128x16xf32, #tpu.memory_space<vmem>>, vector<128x16xf32>
    %get3A_9 = arith.constant 0 : index
    %get3A_10 = arith.constant 0 : index
    %get3A_11 = vector.load %arg6[%get3A_9, %get3A_10] : memref<16x80xf32, #tpu.memory_space<vmem>>, vector<16x80xf32>
    %dot_general3A_12 = arith.constant dense<0.000000e+00> : vector<128x80xf32>
    %dot_general3A_13 = tpu.matmul %get3A_8, %get3A_11, %dot_general3A_12 {dimension_numbers = #tpu.dot_dimension_numbers<[1], [0], [0], [1], [0, 0, 1, 1], [], []>, transpose_lhs_hint = false} : vector<128x16xf32>, vector<16x80xf32>, vector<128x80xf32> -> vector<128x80xf32>
    %add3A = arith.addf %dot_general3A_5, %dot_general3A_13 : vector<128x80xf32>
    %get3A_14 = arith.constant 0 : index
    %get3A_15 = arith.constant 0 : index
    %get3A_16 = vector.load %arg3[%get3A_14, %get3A_15] : memref<128x13xf32, #tpu.memory_space<vmem>>, vector<128x13xf32>
    %get3A_17 = arith.constant 0 : index
    %get3A_18 = arith.constant 0 : index
    %get3A_19 = vector.load %arg7[%get3A_17, %get3A_18] : memref<13x80xf32, #tpu.memory_space<vmem>>, vector<13x80xf32>
    %dot_general3A_20 = arith.constant dense<0.000000e+00> : vector<128x80xf32>
    %dot_general3A_21 = tpu.matmul %get3A_16, %get3A_19, %dot_general3A_20 {dimension_numbers = #tpu.dot_dimension_numbers<[1], [0], [0], [1], [0, 0, 1, 1], [], []>, transpose_lhs_hint = false} : vector<128x13xf32>, vector<13x80xf32>, vector<128x80xf32> -> vector<128x80xf32>
    %add3A_22 = arith.addf %add3A, %dot_general3A_21 : vector<128x80xf32>
    %get3A_23 = arith.constant 0 : index
    %get3A_24 = arith.constant 0 : index
    %get3A_25 = vector.load %arg4[%get3A_23, %get3A_24] : memref<128x400xf32, #tpu.memory_space<vmem>>, vector<128x400xf32>
    %get3A_26 = arith.constant 0 : index
    %get3A_27 = arith.constant 0 : index
    %get3A_28 = vector.load %arg8[%get3A_26, %get3A_27] : memref<400x80xf32, #tpu.memory_space<vmem>>, vector<400x80xf32>
    %dot_general3A_29 = arith.constant dense<0.000000e+00> : vector<128x80xf32>
    %dot_general3A_30 = tpu.matmul %get3A_25, %get3A_28, %dot_general3A_29 {dimension_numbers = #tpu.dot_dimension_numbers<[1], [0], [0], [1], [0, 0, 1, 1], [], []>, transpose_lhs_hint = false} : vector<128x400xf32>, vector<400x80xf32>, vector<128x80xf32> -> vector<128x80xf32>
    %add3A_31 = arith.addf %add3A_22, %dot_general3A_30 : vector<128x80xf32>
    %get3A_32 = arith.constant 0 : index
    %get3A_33 = arith.constant 0 : index
    %get3A_34 = vector.load %arg9[%get3A_32, %get3A_33] : memref<1x80xf32, #tpu.memory_space<vmem>>, vector<1x80xf32>
    %add3A_35 = vector.broadcast %get3A_34 : vector<1x80xf32> to vector<128x80xf32>
    %add3A_36 = arith.addf %add3A_31, %add3A_35 : vector<128x80xf32>
    %get3A_37 = arith.constant 0 : index
    %get3A_38 = arith.constant 0 : index
    %get3A_39 = vector.load %arg10[%get3A_37, %get3A_38] : memref<1x80xf32, #tpu.memory_space<vmem>>, vector<1x80xf32>
    %gt3A = arith.constant 0.000000e+00 : f32
    %gt3A_40 = vector.broadcast %gt3A : f32 to vector<128x80xf32>
    %gt3A_41 = arith.cmpf ogt, %add3A_36, %gt3A_40 : vector<128x80xf32>
    %mul3A = vector.broadcast %get3A_39 : vector<1x80xf32> to vector<128x80xf32>
    %mul3A_42 = arith.mulf %mul3A, %add3A_36 : vector<128x80xf32>
    %select_n3A = arith.select %gt3A_41, %add3A_36, %mul3A_42 : vector<128x80xi1>, vector<128x80xf32>
    %get3A_43 = arith.constant 0 : index
    %get3A_44 = arith.constant 0 : index
    %get3A_45 = vector.load %arg11[%get3A_43, %get3A_44] : memref<80x40xf32, #tpu.memory_space<vmem>>, vector<80x40xf32>
    %dot_general3A_46 = arith.constant dense<0.000000e+00> : vector<128x40xf32>
    %dot_general3A_47 = tpu.matmul %select_n3A, %get3A_45, %dot_general3A_46 {dimension_numbers = #tpu.dot_dimension_numbers<[1], [0], [0], [1], [0, 0, 1, 1], [], []>, transpose_lhs_hint = false} : vector<128x80xf32>, vector<80x40xf32>, vector<128x40xf32> -> vector<128x40xf32>
    %get3A_48 = arith.constant 0 : index
    %get3A_49 = arith.constant 0 : index
    %get3A_50 = vector.load %arg12[%get3A_48, %get3A_49] : memref<1x40xf32, #tpu.memory_space<vmem>>, vector<1x40xf32>
    %add3A_51 = vector.broadcast %get3A_50 : vector<1x40xf32> to vector<128x40xf32>
    %add3A_52 = arith.addf %dot_general3A_47, %add3A_51 : vector<128x40xf32>
    %get3A_53 = arith.constant 0 : index
    %get3A_54 = arith.constant 0 : index
    %get3A_55 = vector.load %arg13[%get3A_53, %get3A_54] : memref<1x40xf32, #tpu.memory_space<vmem>>, vector<1x40xf32>
    %gt3A_56 = arith.constant 0.000000e+00 : f32
    %gt3A_57 = vector.broadcast %gt3A_56 : f32 to vector<128x40xf32>
    %gt3A_58 = arith.cmpf ogt, %add3A_52, %gt3A_57 : vector<128x40xf32>
    %mul3A_59 = vector.broadcast %get3A_55 : vector<1x40xf32> to vector<128x40xf32>
    %mul3A_60 = arith.mulf %mul3A_59, %add3A_52 : vector<128x40xf32>
    %select_n3A_61 = arith.select %gt3A_58, %add3A_52, %mul3A_60 : vector<128x40xi1>, vector<128x40xf32>
    %get3A_62 = arith.constant 0 : index
    %get3A_63 = arith.constant 0 : index
    %get3A_64 = vector.load %arg14[%get3A_62, %get3A_63] : memref<40x1xf32, #tpu.memory_space<vmem>>, vector<40x1xf32>
    %dot_general3A_65 = arith.constant dense<0.000000e+00> : vector<128x1xf32>
    %dot_general3A_66 = tpu.matmul %select_n3A_61, %get3A_64, %dot_general3A_65 {dimension_numbers = #tpu.dot_dimension_numbers<[1], [0], [0], [1], [0, 0, 1, 1], [], []>, transpose_lhs_hint = false} : vector<128x40xf32>, vector<40x1xf32>, vector<128x1xf32> -> vector<128x1xf32>
    %get3A_67 = arith.constant 0 : index
    %get3A_68 = arith.constant 0 : index
    %get3A_69 = vector.load %arg15[%get3A_67, %get3A_68] : memref<1x1xf32, #tpu.memory_space<vmem>>, vector<1x1xf32>
    %add3A_70 = vector.broadcast %get3A_69 : vector<1x1xf32> to vector<128x1xf32>
    %add3A_71 = arith.addf %dot_general3A_66, %add3A_70 : vector<128x1xf32>
    %logistic3A = arith.negf %add3A_71 : vector<128x1xf32>
    %logistic3A_72 = math.exp %logistic3A : vector<128x1xf32>
    %logistic3A_73 = arith.constant 1.000000e+00 : f32
    %logistic3A_74 = vector.broadcast %logistic3A_73 : f32 to vector<128x1xf32>
    %logistic3A_75 = arith.addf %logistic3A_74, %logistic3A_72 : vector<128x1xf32>
    %logistic3A_76 = arith.divf %logistic3A_74, %logistic3A_75 : vector<128x1xf32>
    %swap3A = arith.constant 0 : index
    %swap3A_77 = arith.constant 0 : index
    %swap3A_78 = vector.load %arg16[%swap3A, %swap3A_77] : memref<128x1xf32, #tpu.memory_space<vmem>>, vector<128x1xf32>
    tpu.vector_store %arg16[%swap3A, %swap3A_77], %logistic3A_76 {strides = array<i32>} : memref<128x1xf32, #tpu.memory_space<vmem>>, vector<128x1xf32>,
    return
  }
  func.func @transform_0(%arg0: i32) -> (i32, i32) {
    %c0_i32 = arith.constant 0 : i32
    %c0_i32_0 = arith.constant 0 : i32
    return %arg0, %c0_i32 : i32, i32
  }
  func.func @transform_1(%arg0: i32) -> (i32, i32) {
    %c0_i32 = arith.constant 0 : i32
    %c0_i32_0 = arith.constant 0 : i32
    return %arg0, %c0_i32 : i32, i32
  }
  func.func @transform_2(%arg0: i32) -> (i32, i32) {
    %c0_i32 = arith.constant 0 : i32
    %c0_i32_0 = arith.constant 0 : i32
    return %arg0, %c0_i32 : i32, i32
  }
  func.func @transform_3(%arg0: i32) -> (i32, i32) {
    %c0_i32 = arith.constant 0 : i32
    %c0_i32_0 = arith.constant 0 : i32
    return %arg0, %c0_i32 : i32, i32
  }
  func.func @transform_4(%arg0: i32) -> (i32, i32) {
    %c0_i32 = arith.constant 0 : i32
    %c0_i32_0 = arith.constant 0 : i32
    %c0_i32_1 = arith.constant 0 : i32
    return %c0_i32, %c0_i32_0 : i32, i32
  }
  func.func @transform_5(%arg0: i32) -> (i32, i32) {
    %c0_i32 = arith.constant 0 : i32
    %c0_i32_0 = arith.constant 0 : i32
    %c0_i32_1 = arith.constant 0 : i32
    return %c0_i32, %c0_i32_0 : i32, i32
  }
  func.func @transform_6(%arg0: i32) -> (i32, i32) {
    %c0_i32 = arith.constant 0 : i32
    %c0_i32_0 = arith.constant 0 : i32
    %c0_i32_1 = arith.constant 0 : i32
    return %c0_i32, %c0_i32_0 : i32, i32
  }
  func.func @transform_7(%arg0: i32) -> (i32, i32) {
    %c0_i32 = arith.constant 0 : i32
    %c0_i32_0 = arith.constant 0 : i32
    %c0_i32_1 = arith.constant 0 : i32
    return %c0_i32, %c0_i32_0 : i32, i32
  }
  func.func @transform_8(%arg0: i32) -> (i32, i32) {
    %c0_i32 = arith.constant 0 : i32
    %c0_i32_0 = arith.constant 0 : i32
    %c0_i32_1 = arith.constant 0 : i32
    return %c0_i32, %c0_i32_0 : i32, i32
  }
  func.func @transform_9(%arg0: i32) -> (i32, i32) {
    %c0_i32 = arith.constant 0 : i32
    %c0_i32_0 = arith.constant 0 : i32
    %c0_i32_1 = arith.constant 0 : i32
    return %c0_i32, %c0_i32_0 : i32, i32
  }
  func.func @transform_10(%arg0: i32) -> (i32, i32) {
    %c0_i32 = arith.constant 0 : i32
    %c0_i32_0 = arith.constant 0 : i32
    %c0_i32_1 = arith.constant 0 : i32
    return %c0_i32, %c0_i32_0 : i32, i32
  }
  func.func @transform_11(%arg0: i32) -> (i32, i32) {
    %c0_i32 = arith.constant 0 : i32
    %c0_i32_0 = arith.constant 0 : i32
    %c0_i32_1 = arith.constant 0 : i32
    return %c0_i32, %c0_i32_0 : i32, i32
  }
  func.func @transform_12(%arg0: i32) -> (i32, i32) {
    %c0_i32 = arith.constant 0 : i32
    %c0_i32_0 = arith.constant 0 : i32
    %c0_i32_1 = arith.constant 0 : i32
    return %c0_i32, %c0_i32_0 : i32, i32
  }
  func.func @transform_13(%arg0: i32) -> (i32, i32) {
    %c0_i32 = arith.constant 0 : i32
    %c0_i32_0 = arith.constant 0 : i32
    %c0_i32_1 = arith.constant 0 : i32
    return %c0_i32, %c0_i32_0 : i32, i32
  }
  func.func @transform_14(%arg0: i32) -> (i32, i32) {
    %c0_i32 = arith.constant 0 : i32
    %c0_i32_0 = arith.constant 0 : i32
    %c0_i32_1 = arith.constant 0 : i32
    return %c0_i32, %c0_i32_0 : i32, i32
  }
  func.func @transform_15(%arg0: i32) -> (i32, i32) {
    %c0_i32 = arith.constant 0 : i32
    %c0_i32_0 = arith.constant 0 : i32
    return %arg0, %c0_i32 : i32, i32
  }
}

</mosaic_0001>

<sc_bundles>
// kernel: kernel.6.cloned.1.call-start
scs
__scs_entry_jumppad:
0x0: {  	(pc) =	sbr.rel $0x88, $3  }
0x1: {  	(tag) =	ssettag $0x0;
	lr =	simm.s32 $0x1  }
0x2: {  	[smem:$0x3F89] =	sst lr;
	_ =	strace $0xD0000000  }
0x3: {  	_ = 	snop  }
0x4: {  	_ = 	snop  }
0x5: {  	_ = 	snop  }
0x6: {  	_ = 	snop  }
0x7: {  	_ = 	snop  }
__scs_overlays_trampoline_lowered:
0x8: {  	[smem:$0x3F98] =	sst s0  }
0x9: {  	[smem:$0x3F99] =	sst s1  }
0xa: {  	[smem:$0x3F9A] =	sst s2  }
0xb: {  	[smem:$0x3F9B] =	sst s3  }
0xc: {  	[smem:$0x3F9C] =	sst s4  }
0xd: {  	[smem:$0x3F9D] =	sst s5  }
0xe: {  	[smem:$0x3F9E] =	sst s6  }
0xf: {  	[smem:$0x3F9F] =	sst s7  }
0x10: {  	[smem:$0x3FA0] =	sst s8  }
0x11: {  	[smem:$0x3FA1] =	sst s9;
	s0 =	simm.s32 @!p0 $0x0  }
0x12: {  	s1 =	sld [smem:$0x3F87];
	s0 =	simm.s32 @p0 $0x1  }
0x13: {  	[smem:$0x3FA2] =	sst s0;
	s0 =	simm.s32 @!p1 $0x0  }
0x14: {  	s2 =	sld [smem:$0x3F86];
	s0 =	simm.s32 @p1 $0x1  }
0x15: {  	[smem:$0x3FA3] =	sst s0;
	s0 =	simm.s32 @!p2 $0x0  }
0x16: {  	s3 =	sld [smem:$0x3FDB];
	s0 =	simm.s32 @p2 $0x1  }
0x17: {  	s4 =	simm.s32 $0x1BF5;
	[smem:$0x3FA5] =	sst s0  }
0x18: {  	s0 =	sld [smem:$0x3F88];
	_ =	swait.ge [sflag:s4], $0x0  }
0x19: {  	s7 =	sld [smem:$0x3F89]  }
0x1a: {  	s8 =	sadd.s32 $0xFFFFE003, lr  }
0x1b: {  	s9 =	sadd.s32 $0xFFFFFEF7, lr;
	s5 =	simm.s32 $0xFFFFFFFF;
	p2 =	slt.u32 s8, $0xFFFFF086  }
0x1c: {  	p1 =	slt.u32 s9, $0xF7A;
	s5 =	simm.s32 @!p2 $0x0  }
0x1d: {  	s5 =	simm.s32 @p1 $0x1;
	p0 =	seq.s32 s7, s2  }
0x1e: {  	s7 =	smul.u32 @!p0 $0xF7A, s2;
	p2 =	seq.s32 @!p0 s5, $0x0  }
0x1f: {  	s9 =	smul.u32 $0xF7A, s1;
	s8 =	simm.s32 @!p0 $0x1BF5;
	p2 =	por !p2, p0  }
0x20: {  	[sflag:s8] =	ssyncset.s32 @!p0 $0xFFFFF086;
	s6 =	sadd.s32 @!p0 s3, s7;
	s7 =	simm.s32 @!p0 $0x108  }
0x21: {  	s3 =	sadd.s32 s3, s9;
	s6 =	sadd.s32 @!p0 $0x88, s6;
	s7 =	simm.s32 @p2 $0x1082  }
0x22: {  	[simem:s7], [sflag:s8] =	dma.local @!p0 [hbm:s6], $0xF7A  }
0x23: {  	s9 =	sor.u32 $0xD0000000, s2;
	s6 =	simm.s32 $0x108;
	_ =	swait.ge @!p0 [sflag:s8], $0x0  }
0x24: {  	s3 =	sadd.s32 $0x88, s3;
	s6 =	simm.s32 @!p1 $0x1082;
	[sflag:s4] =	ssyncset.s32 $0xFFFFF086  }
0x25: {  	[simem:s6], [sflag:s4] =	dma.local [hbm:s3], $0xF7A  }
0x26: {  	[smem:$0x3F89] =	sst s1;
	(tag) =	ssettag s2;
	_ =	strace s9  }
0x27: {  	s1 =	sld [smem:$0x3F99]  }
0x28: {  	s2 =	sld [smem:$0x3F9A]  }
0x29: {  	s4 =	sld [smem:$0x3F9C]  }
0x2a: {  	p0 =	seq.s32 s5, $0x0;
	s5 =	sld [smem:$0x3F9D]  }
0x2b: {  	s6 =	sld [smem:$0x3F9E]  }
0x2c: {  	s7 =	sld [smem:$0x3F9F]  }
0x2d: {  	s3 =	simm.s32 $0x108;
	s8 =	sld [smem:$0x3FA0]  }
0x2e: {  	s3 =	simm.s32 @!p0 $0x1082;
	s9 =	sld [smem:$0x3FA1]  }
0x2f: {  	lr =	sadd.s32 s0, s3;
	s0 =	sld [smem:$0x3F98]  }
0x30: {  	s3 =	sld [smem:$0x3F9B]  }
0x31: {  	[smem:$0x3FA4] =	sst s10  }
0x32: {  	s10 =	sld [smem:$0x3FA2];
	_ =	sdelay $0x3  }
0x33: {  	p0 =	seq.s32 s10, $0x1;
	s10 =	sld [smem:$0x3FA4];
	_ =	sdelay $0x3  }
0x34: {  	[smem:$0x3FA4] =	sst s10  }
0x35: {  	s10 =	sld [smem:$0x3FA3];
	_ =	sdelay $0x3  }
0x36: {  	p1 =	seq.s32 s10, $0x1;
	s10 =	sld [smem:$0x3FA4];
	_ =	sdelay $0x3  }
0x37: {  	[smem:$0x3FA4] =	sst s10  }
0x38: {  	s10 =	sld [smem:$0x3FA5]  }
0x39: {  	_ = 	snop;
	(pc) =	sbr.ind lr, $3  }
0x3a: {  	_ = 	snop  }
0x3b: {  	_ = 	snop  }
0x3c: {  	p2 =	seq.s32 s10, $0x1;
	s10 =	sld [smem:$0x3FA4]  }
0x3d: {  	_ =	shalt  }
0x3e: {  	_ =	shalt  }
0x3f: {  	_ =	shalt  }
0x40: {  	_ =	shalt  }
0x41: {  	_ =	shalt  }
0x42: {  	_ =	shalt  }
0x43: {  	_ =	shalt  }
0x44: {  	_ =	shalt  }
0x45: {  	_ =	shalt  }
0x46: {  	_ =	shalt  }
0x47: {  	_ =	shalt  }
0x48: {  	_ =	shalt  }
0x49: {  	_ =	shalt  }
0x4a: {  	_ =	shalt  }
0x4b: {  	_ =	shalt  }
0x4c: {  	_ =	shalt  }
0x4d: {  	_ =	shalt  }
0x4e: {  	_ =	shalt  }
0x4f: {  	_ =	shalt  }
0x50: {  	_ =	shalt  }
0x51: {  	_ =	shalt  }
0x52: {  	_ =	shalt  }
0x53: {  	_ =	shalt  }
0x54: {  	_ =	shalt  }
0x55: {  	_ =	shalt  }
0x56: {  	_ =	shalt  }
0x57: {  	_ =	shalt  }
0x58: {  	_ =	shalt  }
0x59: {  	_ =	shalt  }
0x5a: {  	_ =	shalt  }
0x5b: {  	_ =	shalt  }
0x5c: {  	_ =	shalt  }
0x5d: {  	_ =	shalt  }
0x5e: {  	_ =	shalt  }
0x5f: {  	_ =	shalt  }
0x60: {  	_ =	shalt  }
0x61: {  	_ =	shalt  }
0x62: {  	_ =	shalt  }
0x63: {  	_ =	shalt  }
0x64: {  	_ =	shalt  }
0x65: {  	_ =	shalt  }
0x66: {  	_ =	shalt  }
0x67: {  	_ =	shalt  }
0x68: {  	_ =	shalt  }
0x69: {  	_ =	shalt  }
0x6a: {  	_ =	shalt  }
0x6b: {  	_ =	shalt  }
0x6c: {  	_ =	shalt  }
0x6d: {  	_ =	shalt  }
0x6e: {  	_ =	shalt  }
0x6f: {  	_ =	shalt  }
0x70: {  	_ =	shalt  }
0x71: {  	_ =	shalt  }
0x72: {  	_ =	shalt  }
0x73: {  	_ =	shalt  }
0x74: {  	_ =	shalt  }
0x75: {  	_ =	shalt  }
0x76: {  	_ =	shalt  }
0x77: {  	_ =	shalt  }
0x78: {  	_ =	shalt  }
0x79: {  	_ =	shalt  }
0x7a: {  	_ =	shalt  }
0x7b: {  	_ =	shalt  }
0x7c: {  	_ =	shalt  }
0x7d: {  	_ =	shalt  }
0x7e: {  	_ =	shalt  }
0x7f: {  	_ =	shalt  }
0x80: {  	_ =	shalt  }
0x81: {  	_ =	shalt  }
0x82: {  	_ =	shalt  }
0x83: {  	_ =	shalt  }
0x84: {  	_ =	shalt  }
0x85: {  	_ =	shalt  }
0x86: {  	_ =	shalt  }
0x87: {  	_ =	shalt  }
.Lfunc_end0:
.L_simem_size_0:
called_computation_lowered:
.L_overlay_start_0:
0x88: {  	s2 =	sld [smem:$0x3FD9]  }
0x89: {  	s3 =	sld [smem:$0x3FFE];
	_ =	sdelay $0x1  }
0x8a: {  	s1 =	srdreg.scid  }
0x8b: {  	s0 =	sand.u32 $0x1, s1  }
0x8c: {  	s17 =	sshll.u32 s0, $0xA;
	s2 =	sadd.s32 s3, s2  }
0x8d: {  	s2 =	sadd.s32 s2, s17  }
0x8e: {  	[smem:$0x3FB0] =	sst s2  }
0x8f: {  	_ = 	snop  }
0x90: {  	s2 =	sld [smem:$0x3FC6];
	(tm) =	ssettm $0x1  }
0x91: {  	s18 =	sld [smem:$0x3FFB];
	_ =	sdelay $0x3  }
0x92: {  	_ =	strace s18  }
0x93: {  	s3 =	sld [smem:$0x3FFC];
	_ =	sdelay $0x3  }
0x94: {  	_ =	strace s3  }
0x95: {  	s3 =	sld [smem:$0x3FFD];
	_ =	sdelay $0x3  }
0x96: {  	_ =	strace s3  }
0x97: {  	_ =	strace $0x8FFFFFFF  }
0x98: {  	s19 =	sld [smem:$0x3FDB];
	_ =	sdelay $0x1  }
0x99: {  	s4 =	simm.s32 $_scs_section_size  }
0x9a: {  	s5 =	simm.s32 $_size__tile_overlayer_lowered;
	s6 =	simm.s32 $_tile_overlayer_lowered  }
0x9b: {  	s22 =	simm.s32 $0x1BFF;
	s21 =	sshll.u32 s6, $0x1;
	s3 =	sadd.s32 s4, s19  }
0x9c: {  	s7 =	simm.s32 $0x0;
	s20 =	sshll.u32 s5, $0x1;
	s5 =	sadd.s32 s21, s3  }
0x9d: {  	[timem:s7], [sflag:s22] =	dma.local [hbm:s5], s20  }
0x9e: {  	_ =	swait.ge [sflag:s22], s20  }
0x9f: {  	s4 =	ssub.s32 $0x0, s20;
	[sflag:s22] =	ssyncset.done $0x0  }
0xa0: {  	[sflag:s22] =	ssyncadd.s32 s4;
	_ =	sdelay $0x1  }
0xa1: {  	s23 =	simm.s32 $0x1B8B  }
0xa2: {  	_ =	swait.ge [sflag:s23], $0x1  }
0xa3: {  	[sflag:s23] =	ssyncset.done $0x0  }
0xa4: {  	s25 =	simm.s32 $0x1B8E;
	s24 =	sld [smem:$0x3FFE];
	[sflag:s23] =	ssyncadd.s32 $0xFFFFFFFF  }
0xa5: {  	s26 =	simm.s32 $execute0_lowered;
	[smem:$0x3FD2] =	sst s25  }
0xa6: {  	s5 =	sshll.u32 s26, $0x1;
	_ =	strace $0x80000046;
	[dreg:$0x1] =	wrdreg $0xFFFFFFFF  }
0xa7: {  	s28 =	simm.s32 $_size_execute0_lowered;
	s3 =	sadd.s32 s3, s5;
	[dreg:$0x0] =	wrdreg $0x0  }
0xa8: {  	s5 =	sshll.u32 s28, $0x1;
	[dreg:$0x2] =	wrdreg s3  }
0xa9: {  	[dreg:$0x3] =	wrdreg s5  }
0xaa: {  	[dreg:$0x4] =	wrdreg $0xC0  }
0xab: {  	_ =	task [dreg:s7], $0x5FFFF  }
0xac: {  	[dreg:$0x1] =	wrdreg $0xFFFFFFFF  }
0xad: {  	[dreg:$0x0] =	wrdreg $0x60  }
0xae: {  	[dreg:$0x2] =	wrdreg s24  }
0xaf: {  	[dreg:$0x3] =	wrdreg s2  }
0xb0: {  	[dreg:$0x4] =	wrdreg $0x9  }
0xb1: {  	_ =	task.clear_ibuf [dreg:s7], $0x5FFFF;
	_ =	strace $0x90000046  }
0xb2: {  	s29 =	simm.s32 $0x9;
	_ =	strace $0x80000048  }
0xb3: {  	_ =	swait.ge [sflag:s29], $0x1  }
0xb4: {  	[sflag:s29] =	ssyncadd.s32 $0xFFFFFFFF  }
0xb5: {  	_ =	strace $0x90000048  }
0xb6: {  	_ =	sfence  }
0xb7: {  	s30 =	sld [smem:$0x0];
	_ =	sdelay $0x2  }
0xb8: {  	s31 =	sshll.u32 s1, $0xD;
	s1 =	sshrl.u32 s1, $0x2  }
0xb9: {  	s3 =	sand.u32 $0x4000, s31;
	s1 =	sadd.s32 s1, s30  }
0xba: {  	s0 =	sor.u32 s3, s0;
	s1 =	sshll.u32 s1, $0x11  }
0xbb: {  	s0 =	sor.u32 s1, s0  }
0xbc: {  	s0 =	sadd.s32 $0x8F2B, s0  }
0xbd: {  	[sflag:s0] =	ssyncadd.remote.s32 $0x1  }
0xbe: {  	_ =	sfence.sel $0xFFFF  }
0xbf: {  	[dreg:$0x0] =	wrdreg $0xFFFFFFFF;
	(pc) =	sbr.abs _section_cstart, $3  }
0xc0: {  	[dreg:$0x1] =	wrdreg $0xFFFFFFFF  }
0xc1: {  	_ =	task.clear_ibuf [dreg:s7], $0x2FFFF;
	_ =	strace $0x9FFFFFFF  }
0xc2: {  	(tm) =	ssettm $0x7FFFFFFF  }
0xc3: {  	_ =	shalt  }
tec
execute0_lowered:
.L_overlay_start_1:
0x0: {  	(tag) =	ssettag $0x1  }
0x1: {  	s4 =	rddreg [dreg:$0x0]  }
0x2: {  	s5 =	rddreg [dreg:$0x1]  }
0x3: {  	s0 =	rddreg [dreg:$0x2];
	s2 =	srdreg.scid  }
0x4: {  	s1 =	stileid.u32;
	s12 =	simm.s32 $0x6C00;
	s13 =	simm.s32 $0x7400  }
0x5: {  	s14 =	simm.s32 $0x7C00;
	s15 =	simm.s32 $0x1;
	s16 =	simm.s32 $0x8400  }
0x6: {  	s17 =	simm.s32 $0x8480;
	s18 =	simm.s32 $0x0;
	s6 =	sand.u32 $0x1, s2  }
0x7: {  	s3 =	sshll.u32 s1, $0x1;
	s7 =	smul.u32 $0xC8000, s1;
	s2 =	simm.s32 $0x0  }
0x8: {  	s8 =	sor.u32 s6, s3;
	s9 =	smul.u32 $0x64000, s6;
	[smem:$0x7FF] =	sst s2  }
0x9: {  	s3 =	sadd.s32 $0x1C3800, s4;
	s6 =	ssub.s32 $0x2, s6;
	s10 =	smul.u32 $0xC80, s8  }
0xa: {  	_ =	strace $0x80000047;
	s30 =	sshll.u32 s8, $0x8;
	s11 =	sshrl.u32 s6, $0x1  }
0xb: {  	s31 =	sshll.u32 s8, $0x4;
	s7 =	sadd.s32 s9, s7;
	s11 =	ssub.s32 s6, s11  }
0xc: {  	s5 =	sadd.s32 s5, s31;
	s9 =	simm.s32 $0x2;
	s7 =	sshrl.u32 s7, $0x3  }
0xd: {  	s28 =	sadd.s32 s10, s4;
	s29 =	sadd.s32 s7, s4;
	s7 =	sadd.s32 s30, s4  }
0xe: {  	s10 =	simm.s32 $0x80;
	s4 =	sadd.s32 $0x23E00, s28;
	s6 =	sadd.s32 $0x3CE00, s7  }
0xf: {  	s7 =	smax.u32 s11, $0x1;
	s8 =	sadd.s32 $0x1F4600, s29;
	s11 =	simm.s32 $0x6400  }
.LBB2_1:
0x10: {  	[tilespmem:s2], [sflag:$0x2] =	stream.linear.gather [hbm4b:s4+s2], $0x6400, $0x38;
	[tilespmem:$0x8C80] =	vst v63  }
0x11: {  	_ =	swait.ge [sflag:s9], $0x6400  }
0x12: {  	[sflag:s9] =	ssyncset.done $0x0  }
0x13: {  	s19 =	simm.s32 $0x0;
	[sflag:s9] =	ssyncadd.s32 $0xFFFF9C00  }
0x14: {  	[tilespmem:s11], [sflag:$0x1] =	stream.indirect.gather [hbm4b:s3+s10], $0x10, s19, s10, $0xb8;
	[tilespmem:$0x8C80] =	vst v63  }
0x15: {  	s28 =	simm.s32 $0x80  }
0x16: {  	[tilespmem:s12], [sflag:$0x1] =	stream.indirect.gather [hbm4b:s3+s10], $0x10, s28, s10, $0xb8;
	[tilespmem:$0x8C80] =	vst v63  }
0x17: {  	s29 =	simm.s32 $0x100  }
0x18: {  	[tilespmem:s13], [sflag:$0x1] =	stream.indirect.gather [hbm4b:s3+s10], $0x10, s29, s10, $0xb8;
	[tilespmem:$0x8C80] =	vst v63  }
0x19: {  	s30 =	simm.s32 $0x180  }
0x1a: {  	[tilespmem:s14], [sflag:$0x1] =	stream.indirect.gather [hbm4b:s3+s10], $0x10, s30, s10, $0xb8;
	[tilespmem:$0x8C80] =	vst v63  }
0x1b: {  	_ =	swait.ge [sflag:s15], $0x800  }
0x1c: {  	[sflag:s15] =	ssyncset.done $0x0  }
0x1d: {  	[sflag:s15] =	ssyncadd.s32 $0xFFFFF800  }
0x1e: {  	_ =	swait.ge [sflag:s15], $0x800  }
0x1f: {  	[sflag:s15] =	ssyncset.done $0x0  }
0x20: {  	[sflag:s15] =	ssyncadd.s32 $0xFFFFF800  }
0x21: {  	_ =	swait.ge [sflag:s15], $0x800  }
0x22: {  	[sflag:s15] =	ssyncset.done $0x0  }
0x23: {  	[sflag:s15] =	ssyncadd.s32 $0xFFFFF800  }
0x24: {  	_ =	swait.ge [sflag:s15], $0x800  }
0x25: {  	[sflag:s15] =	ssyncset.done $0x0  }
0x26: {  	s31 =	sadd.s32 $0x0, s8;
	[sflag:s15] =	ssyncadd.s32 $0xFFFFF800  }
0x27: {  	[hbm4b:s31+s2] =	stream.linear.scatter [tilespmem:s11], [sflag:$0x2], $0x2000, $0x38;
	[tilespmem:$0x8C80] =	vst v63  }
0x28: {  	s21 =	simm.s32 $0x800;
	_ =	swait.ge [sflag:s9], $0x2000  }
0x29: {  	s20 =	simm.s32 $0x380;
	s19 =	simm.s32 $0x400;
	[sflag:s9] =	ssyncset.done $0x0  }
.LBB2_2:
0x2a: {  	p0 =	sne.s32 s21, $0xC400;
	s22 =	sadd.s32 $0xFFFFFE80, s20;
	[sflag:s9] =	ssyncadd.s32 $0xFFFFE000  }
0x2b: {  	[tilespmem:s11], [sflag:$0x1] =	stream.indirect.gather [hbm4b:s3+s10], $0x10, s22, s10, $0xb8;
	[tilespmem:$0x8C80] =	vst v63  }
0x2c: {  	s23 =	smov.u32 s21;
	s21 =	sadd.s32 $0x400, s21;
	s22 =	sadd.s32 $0xFFFFFF00, s20  }
0x2d: {  	[tilespmem:s12], [sflag:$0x1] =	stream.indirect.gather [hbm4b:s3+s10], $0x10, s22, s10, $0xb8;
	[tilespmem:$0x8C80] =	vst v63  }
0x2e: {  	s22 =	sadd.s32 $0xFFFFFF80, s20  }
0x2f: {  	[tilespmem:s13], [sflag:$0x1] =	stream.indirect.gather [hbm4b:s3+s10], $0x10, s22, s10, $0xb8;
	[tilespmem:$0x8C80] =	vst v63  }
0x30: {  	_ = 	snop  }
0x31: {  	[tilespmem:s14], [sflag:$0x1] =	stream.indirect.gather [hbm4b:s3+s10], $0x10, s20, s10, $0xb8;
	[tilespmem:$0x8C80] =	vst v63  }
0x32: {  	_ =	swait.ge [sflag:s15], $0x800  }
0x33: {  	[sflag:s15] =	ssyncset.done $0x0  }
0x34: {  	[sflag:s15] =	ssyncadd.s32 $0xFFFFF800  }
0x35: {  	_ =	swait.ge [sflag:s15], $0x800  }
0x36: {  	[sflag:s15] =	ssyncset.done $0x0  }
0x37: {  	[sflag:s15] =	ssyncadd.s32 $0xFFFFF800  }
0x38: {  	_ =	swait.ge [sflag:s15], $0x800  }
0x39: {  	[sflag:s15] =	ssyncset.done $0x0  }
0x3a: {  	[sflag:s15] =	ssyncadd.s32 $0xFFFFF800  }
0x3b: {  	_ =	swait.ge [sflag:s15], $0x800  }
.Ltmp0:
0x3c: {  	[sflag:s15] =	ssyncset.done $0x0;
	(pc) =	sbr.rel @p0 .LBB2_2-.Ltmp0, $4  }
0x3d: {  	s22 =	sadd.s32 s19, s8;
	s19 =	smov.u32 s23;
	[sflag:s15] =	ssyncadd.s32 $0xFFFFF800  }
0x3e: {  	[hbm4b:s22+s2] =	stream.linear.scatter [tilespmem:s11], [sflag:$0x2], $0x2000, $0x38;
	[tilespmem:$0x8C80] =	vst v63  }
0x3f: {  	_ =	swait.ge [sflag:s9], $0x2000  }
0x40: {  	s20 =	sadd.s32 $0x200, s20;
	[sflag:s9] =	ssyncset.done $0x0  }
0x41: {  	s21 =	sadd.s32 $0xFFFFFE80, s20;
	[sflag:s9] =	ssyncadd.s32 $0xFFFFE000  }
0x42: {  	[tilespmem:s11], [sflag:$0x1] =	stream.indirect.gather [hbm4b:s3+s10], $0x10, s21, s10, $0xb8;
	[tilespmem:$0x8C80] =	vst v63  }
0x43: {  	s30 =	sadd.s32 $0xFFFFFF00, s20  }
0x44: {  	[tilespmem:s12], [sflag:$0x1] =	stream.indirect.gather [hbm4b:s3+s10], $0x10, s30, s10, $0xb8;
	[tilespmem:$0x8C80] =	vst v63  }
0x45: {  	s31 =	sadd.s32 $0xFFFFFF80, s20  }
0x46: {  	[tilespmem:s13], [sflag:$0x1] =	stream.indirect.gather [hbm4b:s3+s10], $0x10, s31, s10, $0xb8;
	[tilespmem:$0x8C80] =	vst v63  }
0x47: {  	_ = 	snop  }
0x48: {  	[tilespmem:s14], [sflag:$0x1] =	stream.indirect.gather [hbm4b:s3+s10], $0x10, s20, s10, $0xb8;
	[tilespmem:$0x8C80] =	vst v63  }
0x49: {  	_ =	swait.ge [sflag:s15], $0x800  }
0x4a: {  	[sflag:s15] =	ssyncset.done $0x0  }
0x4b: {  	[sflag:s15] =	ssyncadd.s32 $0xFFFFF800  }
0x4c: {  	_ =	swait.ge [sflag:s15], $0x800  }
0x4d: {  	[sflag:s15] =	ssyncset.done $0x0  }
0x4e: {  	[sflag:s15] =	ssyncadd.s32 $0xFFFFF800  }
0x4f: {  	_ =	swait.ge [sflag:s15], $0x800  }
0x50: {  	[sflag:s15] =	ssyncset.done $0x0  }
0x51: {  	[sflag:s15] =	ssyncadd.s32 $0xFFFFF800  }
0x52: {  	_ =	swait.ge [sflag:s15], $0x800  }
0x53: {  	[sflag:s15] =	ssyncset.done $0x0  }
0x54: {  	s19 =	sadd.s32 s19, s8;
	[sflag:s15] =	ssyncadd.s32 $0xFFFFF800  }
0x55: {  	[hbm4b:s19+s2] =	stream.linear.scatter [tilespmem:s11], [sflag:$0x2], $0x2000, $0x38;
	[tilespmem:$0x8C80] =	vst v63  }
0x56: {  	_ =	swait.ge [sflag:s9], $0x2000  }
0x57: {  	[sflag:s9] =	ssyncset.done $0x0  }
0x58: {  	[sflag:s9] =	ssyncadd.s32 $0xFFFFE000  }
0x59: {  	[tilespmem:s16], [sflag:$0x2] =	stream.linear.gather [hbm4b:s5+s2], $0x80, $0x38;
	[tilespmem:$0x8C80] =	vst v63  }
0x5a: {  	_ =	swait.ge [sflag:s9], $0x80  }
0x5b: {  	[sflag:s9] =	ssyncset.done $0x0  }
0x5c: {  	[sflag:s9] =	ssyncadd.s32 $0xFFFFFF80  }
0x5d: {  	[tilespmem:s17], [sflag:$0x1] =	stream.indirect.gather [hbm4b:s3+s10], $0x10, s16, s10, $0xb8;
	[tilespmem:$0x8C80] =	vst v63  }
0x5e: {  	s18 =	sadd.s32 $0x1, s18;
	_ =	swait.ge [sflag:s15], $0x800  }
0x5f: {  	p0 =	sne.s32 s18, s7;
	[sflag:s15] =	ssyncset.done $0x0  }
.Ltmp1:
0x60: {  	[sflag:s15] =	ssyncadd.s32 $0xFFFFF800;
	(pc) =	sbr.rel @p0 .LBB2_1-.Ltmp1, $4  }
0x61: {  	[hbm4b:s6+s2] =	stream.linear.scatter [tilespmem:s17], [sflag:$0x2], $0x800, $0x38;
	[tilespmem:$0x8C80] =	vst v63  }
0x62: {  	_ =	swait.ge [sflag:s9], $0x800  }
0x63: {  	[sflag:s9] =	ssyncset.done $0x0  }
0x64: {  	[sflag:s9] =	ssyncadd.s32 $0xFFFFF800  }
0x65: {  	_ =	sfence.sel $0x180000  }
0x66: {  	[bflag:$0x0] =	sbarrier.arrive $0xFFFF  }
0x67: {  	p0 =	sne.s32 s1, $0x0;
	_ =	strace $0x90000047  }
0x68: {  	s0 =	sadd.s32 @!p0 $0x100000, s0;
	[bflag:$0x2] =	sbarrier.arrive $0xFFFF  }
0x69: {  	[sflag:s0] =	ssyncadd.tile.s32 @!p0 $0x1;
	_ =	shalt  }
.Lfunc_end2:
_tile_overlayer_lowered:
.L_overlay_start_2:
0x6a: {  	(tag) =	ssettag $0x2  }
0x6b: {  	s0 =	rddreg [dreg:$0x0];
	s2 =	stileid.u32  }
0x6c: {  	s1 =	rddreg [dreg:$0x1];
	p0 =	sne.s32 s2, $0x0  }
0x6d: {  	s3 =	rddreg [dreg:$0x2];
	[bflag:$0x3] =	sbarrier.arrive $0xFFFF;
	s2 =	simm.s32 @!p0 $0x1C02  }
0x6e: {  	[timem:s3], [sflag:s2] =	dma.local @!p0 [hbm:s0], s1  }
0x6f: {  	s0 =	simm.s32 @!p0 $0x2  }
0x70: {  	_ =	swait.ge @!p0 [sflag:s0], s1  }
0x71: {  	s1 =	ssub.s32 @!p0 $0x0, s1;
	[sflag:s0] =	ssyncset.done @!p0 $0x0  }
0x72: {  	[sflag:s0] =	ssyncadd.s32 @!p0 s1  }
0x73: {  	[bflag:$0x3] =	sbarrier.arrive $0xFFFF  }
0x74: {  	_ =	shalt  }

// kernel: kernel.9.cloned.1.call-start
scs
__scs_entry_jumppad:
0x0: {  	(pc) =	sbr.rel $0x88, $3  }
0x1: {  	(tag) =	ssettag $0x0;
	lr =	simm.s32 $0x1  }
0x2: {  	[smem:$0x3F89] =	sst lr;
	_ =	strace $0xD0000000  }
0x3: {  	_ = 	snop  }
0x4: {  	_ = 	snop  }
0x5: {  	_ = 	snop  }
0x6: {  	_ = 	snop  }
0x7: {  	_ = 	snop  }
__scs_overlays_trampoline_lowered:
0x8: {  	[smem:$0x3F98] =	sst s0  }
0x9: {  	[smem:$0x3F99] =	sst s1  }
0xa: {  	[smem:$0x3F9A] =	sst s2  }
0xb: {  	[smem:$0x3F9B] =	sst s3  }
0xc: {  	[smem:$0x3F9C] =	sst s4  }
0xd: {  	[smem:$0x3F9D] =	sst s5  }
0xe: {  	[smem:$0x3F9E] =	sst s6  }
0xf: {  	[smem:$0x3F9F] =	sst s7  }
0x10: {  	[smem:$0x3FA0] =	sst s8  }
0x11: {  	[smem:$0x3FA1] =	sst s9;
	s0 =	simm.s32 @!p0 $0x0  }
0x12: {  	s1 =	sld [smem:$0x3F87];
	s0 =	simm.s32 @p0 $0x1  }
0x13: {  	[smem:$0x3FA2] =	sst s0;
	s0 =	simm.s32 @!p1 $0x0  }
0x14: {  	s2 =	sld [smem:$0x3F86];
	s0 =	simm.s32 @p1 $0x1  }
0x15: {  	[smem:$0x3FA3] =	sst s0;
	s0 =	simm.s32 @!p2 $0x0  }
0x16: {  	s3 =	sld [smem:$0x3FDB];
	s0 =	simm.s32 @p2 $0x1  }
0x17: {  	s4 =	simm.s32 $0x1BF5;
	[smem:$0x3FA5] =	sst s0  }
0x18: {  	s0 =	sld [smem:$0x3F88];
	_ =	swait.ge [sflag:s4], $0x0  }
0x19: {  	s7 =	sld [smem:$0x3F89]  }
0x1a: {  	s8 =	sadd.s32 $0xFFFFE003, lr  }
0x1b: {  	s9 =	sadd.s32 $0xFFFFFEF7, lr;
	s5 =	simm.s32 $0xFFFFFFFF;
	p2 =	slt.u32 s8, $0xFFFFF086  }
0x1c: {  	p1 =	slt.u32 s9, $0xF7A;
	s5 =	simm.s32 @!p2 $0x0  }
0x1d: {  	s5 =	simm.s32 @p1 $0x1;
	p0 =	seq.s32 s7, s2  }
0x1e: {  	s7 =	smul.u32 @!p0 $0xF7A, s2;
	p2 =	seq.s32 @!p0 s5, $0x0  }
0x1f: {  	s9 =	smul.u32 $0xF7A, s1;
	s8 =	simm.s32 @!p0 $0x1BF5;
	p2 =	por !p2, p0  }
0x20: {  	[sflag:s8] =	ssyncset.s32 @!p0 $0xFFFFF086;
	s6 =	sadd.s32 @!p0 s3, s7;
	s7 =	simm.s32 @!p0 $0x108  }
0x21: {  	s3 =	sadd.s32 s3, s9;
	s6 =	sadd.s32 @!p0 $0x88, s6;
	s7 =	simm.s32 @p2 $0x1082  }
0x22: {  	[simem:s7], [sflag:s8] =	dma.local @!p0 [hbm:s6], $0xF7A  }
0x23: {  	s9 =	sor.u32 $0xD0000000, s2;
	s6 =	simm.s32 $0x108;
	_ =	swait.ge @!p0 [sflag:s8], $0x0  }
0x24: {  	s3 =	sadd.s32 $0x88, s3;
	s6 =	simm.s32 @!p1 $0x1082;
	[sflag:s4] =	ssyncset.s32 $0xFFFFF086  }
0x25: {  	[simem:s6], [sflag:s4] =	dma.local [hbm:s3], $0xF7A  }
0x26: {  	[smem:$0x3F89] =	sst s1;
	(tag) =	ssettag s2;
	_ =	strace s9  }
0x27: {  	s1 =	sld [smem:$0x3F99]  }
0x28: {  	s2 =	sld [smem:$0x3F9A]  }
0x29: {  	s4 =	sld [smem:$0x3F9C]  }
0x2a: {  	p0 =	seq.s32 s5, $0x0;
	s5 =	sld [smem:$0x3F9D]  }
0x2b: {  	s6 =	sld [smem:$0x3F9E]  }
0x2c: {  	s7 =	sld [smem:$0x3F9F]  }
0x2d: {  	s3 =	simm.s32 $0x108;
	s8 =	sld [smem:$0x3FA0]  }
0x2e: {  	s3 =	simm.s32 @!p0 $0x1082;
	s9 =	sld [smem:$0x3FA1]  }
0x2f: {  	lr =	sadd.s32 s0, s3;
	s0 =	sld [smem:$0x3F98]  }
0x30: {  	s3 =	sld [smem:$0x3F9B]  }
0x31: {  	[smem:$0x3FA4] =	sst s10  }
0x32: {  	s10 =	sld [smem:$0x3FA2];
	_ =	sdelay $0x3  }
0x33: {  	p0 =	seq.s32 s10, $0x1;
	s10 =	sld [smem:$0x3FA4];
	_ =	sdelay $0x3  }
0x34: {  	[smem:$0x3FA4] =	sst s10  }
0x35: {  	s10 =	sld [smem:$0x3FA3];
	_ =	sdelay $0x3  }
0x36: {  	p1 =	seq.s32 s10, $0x1;
	s10 =	sld [smem:$0x3FA4];
	_ =	sdelay $0x3  }
0x37: {  	[smem:$0x3FA4] =	sst s10  }
0x38: {  	s10 =	sld [smem:$0x3FA5]  }
0x39: {  	_ = 	snop;
	(pc) =	sbr.ind lr, $3  }
0x3a: {  	_ = 	snop  }
0x3b: {  	_ = 	snop  }
0x3c: {  	p2 =	seq.s32 s10, $0x1;
	s10 =	sld [smem:$0x3FA4]  }
0x3d: {  	_ =	shalt  }
0x3e: {  	_ =	shalt  }
0x3f: {  	_ =	shalt  }
0x40: {  	_ =	shalt  }
0x41: {  	_ =	shalt  }
0x42: {  	_ =	shalt  }
0x43: {  	_ =	shalt  }
0x44: {  	_ =	shalt  }
0x45: {  	_ =	shalt  }
0x46: {  	_ =	shalt  }
0x47: {  	_ =	shalt  }
0x48: {  	_ =	shalt  }
0x49: {  	_ =	shalt  }
0x4a: {  	_ =	shalt  }
0x4b: {  	_ =	shalt  }
0x4c: {  	_ =	shalt  }
0x4d: {  	_ =	shalt  }
0x4e: {  	_ =	shalt  }
0x4f: {  	_ =	shalt  }
0x50: {  	_ =	shalt  }
0x51: {  	_ =	shalt  }
0x52: {  	_ =	shalt  }
0x53: {  	_ =	shalt  }
0x54: {  	_ =	shalt  }
0x55: {  	_ =	shalt  }
0x56: {  	_ =	shalt  }
0x57: {  	_ =	shalt  }
0x58: {  	_ =	shalt  }
0x59: {  	_ =	shalt  }
0x5a: {  	_ =	shalt  }
0x5b: {  	_ =	shalt  }
0x5c: {  	_ =	shalt  }
0x5d: {  	_ =	shalt  }
0x5e: {  	_ =	shalt  }
0x5f: {  	_ =	shalt  }
0x60: {  	_ =	shalt  }
0x61: {  	_ =	shalt  }
0x62: {  	_ =	shalt  }
0x63: {  	_ =	shalt  }
0x64: {  	_ =	shalt  }
0x65: {  	_ =	shalt  }
0x66: {  	_ =	shalt  }
0x67: {  	_ =	shalt  }
0x68: {  	_ =	shalt  }
0x69: {  	_ =	shalt  }
0x6a: {  	_ =	shalt  }
0x6b: {  	_ =	shalt  }
0x6c: {  	_ =	shalt  }
0x6d: {  	_ =	shalt  }
0x6e: {  	_ =	shalt  }
0x6f: {  	_ =	shalt  }
0x70: {  	_ =	shalt  }
0x71: {  	_ =	shalt  }
0x72: {  	_ =	shalt  }
0x73: {  	_ =	shalt  }
0x74: {  	_ =	shalt  }
0x75: {  	_ =	shalt  }
0x76: {  	_ =	shalt  }
0x77: {  	_ =	shalt  }
0x78: {  	_ =	shalt  }
0x79: {  	_ =	shalt  }
0x7a: {  	_ =	shalt  }
0x7b: {  	_ =	shalt  }
0x7c: {  	_ =	shalt  }
0x7d: {  	_ =	shalt  }
0x7e: {  	_ =	shalt  }
0x7f: {  	_ =	shalt  }
0x80: {  	_ =	shalt  }
0x81: {  	_ =	shalt  }
0x82: {  	_ =	shalt  }
0x83: {  	_ =	shalt  }
0x84: {  	_ =	shalt  }
0x85: {  	_ =	shalt  }
0x86: {  	_ =	shalt  }
0x87: {  	_ =	shalt  }
.Lfunc_end0:
.L_simem_size_0:
called_computation.1_lowered:
.L_overlay_start_0:
0x88: {  	s2 =	sld [smem:$0x3FD9]  }
0x89: {  	s3 =	sld [smem:$0x3FFE];
	_ =	sdelay $0x1  }
0x8a: {  	s1 =	srdreg.scid  }
0x8b: {  	s0 =	sand.u32 $0x1, s1  }
0x8c: {  	s17 =	sshll.u32 s0, $0xA;
	s2 =	sadd.s32 s3, s2  }
0x8d: {  	s2 =	sadd.s32 s2, s17  }
0x8e: {  	[smem:$0x3FB0] =	sst s2  }
0x8f: {  	_ = 	snop  }
0x90: {  	(tm) =	ssettm $0x1  }
0x91: {  	s18 =	sld [smem:$0x3FFB];
	_ =	sdelay $0x3  }
0x92: {  	_ =	strace s18  }
0x93: {  	s2 =	sld [smem:$0x3FFC];
	_ =	sdelay $0x3  }
0x94: {  	_ =	strace s2  }
0x95: {  	s2 =	sld [smem:$0x3FFD];
	_ =	sdelay $0x3  }
0x96: {  	_ =	strace s2  }
0x97: {  	_ =	strace $0x8FFFFFFF  }
0x98: {  	s19 =	sld [smem:$0x3FDB];
	_ =	sdelay $0x1  }
0x99: {  	s20 =	simm.s32 $_scs_section_size  }
0x9a: {  	s4 =	simm.s32 $_size__tile_overlayer_lowered;
	s5 =	simm.s32 $_tile_overlayer_lowered  }
0x9b: {  	s6 =	simm.s32 $0x1BFF;
	s21 =	sshll.u32 s5, $0x1;
	s3 =	sadd.s32 s20, s19  }
0x9c: {  	s22 =	simm.s32 $0x0;
	s4 =	sshll.u32 s4, $0x1;
	s5 =	sadd.s32 s21, s3  }
0x9d: {  	[timem:s22], [sflag:s6] =	dma.local [hbm:s5], s4  }
0x9e: {  	_ =	swait.ge [sflag:s6], s4  }
0x9f: {  	s4 =	ssub.s32 $0x0, s4;
	[sflag:s6] =	ssyncset.done $0x0  }
0xa0: {  	[sflag:s6] =	ssyncadd.s32 s4;
	_ =	sdelay $0x1  }
0xa1: {  	s23 =	simm.s32 $0x1B8B  }
0xa2: {  	_ =	swait.ge [sflag:s23], $0x1  }
0xa3: {  	[sflag:s23] =	ssyncset.done $0x0  }
0xa4: {  	[sflag:s23] =	ssyncadd.s32 $0xFFFFFFFF  }
0xa5: {  	s4 =	sld [smem:$0x0]  }
0xa6: {  	s5 =	sand.u32 $0xFFFFFFFE, s1  }
0xa7: {  	p0 =	sne.s32 s1, s5  }
0xa8: {  	s5 =	sshll.u32 @p0 s5, $0xE  }
0xa9: {  	s5 =	sadd.s32 @p0 $0x11B8D, s5;
	s6 =	sshll.u32 @p0 s4, $0x11  }
0xaa: {  	s5 =	sor.u32 @p0 s6, s5  }
0xab: {  	[sflag:s5] =	ssyncadd.remote.s32 @p0 $0x1;
	_ =	sdelay $0x1  }
0xac: {  	s5 =	simm.s32 @p0 $0x1B8D  }
0xad: {  	_ =	swait.eq @p0 [sflag:s5], $0x1  }
0xae: {  	[sflag:s5] =	ssyncadd.s32 @p0 $0xFFFFFFFF  }
0xaf: {  	s6 =	sshll.u32 @!p0 s1, $0xE  }
0xb0: {  	s6 =	sor.u32 @!p0 $0x4000, s6;
	s5 =	simm.s32 @!p0 $0x1B8D  }
0xb1: {  	s4 =	sshll.u32 @!p0 s4, $0x11;
	s6 =	sadd.s32 @!p0 $0x11B8D, s6;
	_ =	swait.eq @!p0 [sflag:s5], $0x1  }
0xb2: {  	s4 =	sor.u32 @!p0 s4, s6;
	[sflag:s5] =	ssyncadd.s32 @!p0 $0xFFFFFFFF  }
0xb3: {  	s25 =	simm.s32 $0x1B8E;
	s24 =	sld [smem:$0x3FFE];
	[sflag:s4] =	ssyncadd.remote.s32 @!p0 $0x1  }
0xb4: {  	s26 =	simm.s32 $execute0_lowered;
	[smem:$0x3FD2] =	sst s25  }
0xb5: {  	s5 =	sshll.u32 s26, $0x1;
	_ =	strace $0x80000049;
	[dreg:$0x1] =	wrdreg $0xFFFFFFFF  }
0xb6: {  	s28 =	simm.s32 $_size_execute0_lowered;
	s3 =	sadd.s32 s3, s5;
	[dreg:$0x0] =	wrdreg $0x0  }
0xb7: {  	s5 =	sshll.u32 s28, $0x1;
	[dreg:$0x2] =	wrdreg s3  }
0xb8: {  	[dreg:$0x3] =	wrdreg s5  }
0xb9: {  	[dreg:$0x4] =	wrdreg $0xC0  }
0xba: {  	_ =	task [dreg:s22], $0x5FFFF  }
0xbb: {  	[dreg:$0x1] =	wrdreg $0xFFFFFFFF  }
0xbc: {  	[dreg:$0x0] =	wrdreg $0x60  }
0xbd: {  	[dreg:$0x2] =	wrdreg s24  }
0xbe: {  	[dreg:$0x3] =	wrdreg $0xA  }
0xbf: {  	_ =	task.clear_ibuf [dreg:s22], $0x4FFFF;
	_ =	strace $0x90000049  }
0xc0: {  	s29 =	simm.s32 $0xA;
	_ =	strace $0x8000004B  }
0xc1: {  	_ =	swait.ge [sflag:s29], $0x1  }
0xc2: {  	[sflag:s29] =	ssyncadd.s32 $0xFFFFFFFF  }
0xc3: {  	_ =	strace $0x9000004B  }
0xc4: {  	_ =	sfence  }
0xc5: {  	s30 =	sld [smem:$0x0];
	_ =	sdelay $0x2  }
0xc6: {  	s31 =	sshll.u32 s1, $0xD;
	s1 =	sshrl.u32 s1, $0x2  }
0xc7: {  	s4 =	sand.u32 $0x4000, s31;
	s1 =	sadd.s32 s1, s30  }
0xc8: {  	s0 =	sor.u32 s4, s0;
	s1 =	sshll.u32 s1, $0x11  }
0xc9: {  	s0 =	sor.u32 s1, s0  }
0xca: {  	s0 =	sadd.s32 $0x8F2B, s0  }
0xcb: {  	[sflag:s0] =	ssyncadd.remote.s32 $0x1  }
0xcc: {  	_ =	sfence.sel $0xFFFF  }
0xcd: {  	[dreg:$0x0] =	wrdreg $0xFFFFFFFF;
	(pc) =	sbr.abs _section_cstart, $3  }
0xce: {  	[dreg:$0x1] =	wrdreg $0xFFFFFFFF  }
0xcf: {  	_ =	task.clear_ibuf [dreg:s22], $0x2FFFF;
	_ =	strace $0x9FFFFFFF  }
0xd0: {  	(tm) =	ssettm $0x7FFFFFFF  }
0xd1: {  	_ =	shalt  }
tec
execute0_lowered:
.L_overlay_start_1:
0x0: {  	(tag) =	ssettag $0x1  }
0x1: {  	s1 =	srdreg.scid  }
0x2: {  	s0 =	stileid.u32;
	s4 =	rddreg [dreg:$0x0];
	s2 =	simm.s32 $0x0  }
0x3: {  	s7 =	simm.s32 $0x2;
	s8 =	simm.s32 $0x190;
	s3 =	sand.u32 $0x1, s1  }
0x4: {  	s9 =	simm.s32 $0x1;
	s5 =	sshll.u32 s0, $0x8;
	s6 =	sshll.u32 s3, $0x7  }
0x5: {  	s10 =	simm.s32 $0xC800;
	s11 =	simm.s32 $0x0;
	s5 =	sor.u32 s6, s5  }
0x6: {  	[smem:$0x7FF] =	sst s2;
	s30 =	ssub.s32 $0x2, s3;
	s5 =	smul.u32 $0x32, s5  }
0x7: {  	s1 =	rddreg [dreg:$0x1];
	_ =	strace $0x8000004A;
	s31 =	sshrl.u32 s30, $0x1  }
0x8: {  	s3 =	sadd.s32 $0x384600, s4;
	s6 =	ssub.s32 s30, s31;
	s5 =	sadd.s32 s5, s4  }
0x9: {  	s6 =	smax.u32 s6, $0x1;
	s4 =	sadd.s32 $0x3EE00, s5;
	s5 =	sadd.s32 $0x70E00, s5  }
.LBB2_1:
0xa: {  	[tilespmem:s2], [sflag:$0x2] =	stream.linear.gather [hbm4b:s4+s2], $0xC800, $0x38;
	[tilespmem:$0x19000] =	vst v63  }
0xb: {  	_ =	swait.ge [sflag:s7], $0xC800  }
0xc: {  	[sflag:s7] =	ssyncset.done $0x0  }
0xd: {  	s12 =	simm.s32 $0x0;
	s13 =	simm.s32 $0xC800;
	[sflag:s7] =	ssyncadd.s32 $0xFFFF3800  }
0xe: {  	[tilespmem:s13], [sflag:$0x1] =	stream.indirect.gather [hbm4b:s3+s8], $0x1, s12, s8, $0xb8;
	[tilespmem:$0x19000] =	vst v63  }
0xf: {  	s19 =	simm.s32 $0xC990;
	s20 =	simm.s32 $0x190  }
0x10: {  	[tilespmem:s19], [sflag:$0x1] =	stream.indirect.gather [hbm4b:s3+s8], $0x1, s20, s8, $0xb8;
	[tilespmem:$0x19000] =	vst v63  }
0x11: {  	s21 =	simm.s32 $0xCB20;
	s22 =	simm.s32 $0x320  }
0x12: {  	[tilespmem:s21], [sflag:$0x1] =	stream.indirect.gather [hbm4b:s3+s8], $0x1, s22, s8, $0xb8;
	[tilespmem:$0x19000] =	vst v63  }
0x13: {  	s23 =	simm.s32 $0xCCB0;
	s24 =	simm.s32 $0x4B0  }
0x14: {  	[tilespmem:s23], [sflag:$0x1] =	stream.indirect.gather [hbm4b:s3+s8], $0x1, s24, s8, $0xb8;
	[tilespmem:$0x19000] =	vst v63  }
0x15: {  	s25 =	simm.s32 $0xCE40;
	s26 =	simm.s32 $0x640  }
0x16: {  	[tilespmem:s25], [sflag:$0x1] =	stream.indirect.gather [hbm4b:s3+s8], $0x1, s26, s8, $0xb8;
	[tilespmem:$0x19000] =	vst v63  }
0x17: {  	s28 =	simm.s32 $0xCFD0;
	s29 =	simm.s32 $0x7D0  }
0x18: {  	[tilespmem:s28], [sflag:$0x1] =	stream.indirect.gather [hbm4b:s3+s8], $0x1, s29, s8, $0xb8;
	[tilespmem:$0x19000] =	vst v63  }
0x19: {  	s30 =	simm.s32 $0xD160;
	s31 =	simm.s32 $0x960  }
0x1a: {  	[tilespmem:s30], [sflag:$0x1] =	stream.indirect.gather [hbm4b:s3+s8], $0x1, s31, s8, $0xb8;
	[tilespmem:$0x19000] =	vst v63  }
0x1b: {  	s14 =	simm.s32 $0xAF0;
	s13 =	simm.s32 $0xD2F0  }
0x1c: {  	[tilespmem:s13], [sflag:$0x1] =	stream.indirect.gather [hbm4b:s3+s8], $0x1, s14, s8, $0xb8;
	[tilespmem:$0x19000] =	vst v63  }
0x1d: {  	s15 =	simm.s32 $0xD480;
	s16 =	simm.s32 $0xC80  }
0x1e: {  	[tilespmem:s15], [sflag:$0x1] =	stream.indirect.gather [hbm4b:s3+s8], $0x1, s16, s8, $0xb8;
	[tilespmem:$0x19000] =	vst v63  }
0x1f: {  	s17 =	simm.s32 $0xD610;
	s18 =	simm.s32 $0xE10  }
0x20: {  	[tilespmem:s17], [sflag:$0x1] =	stream.indirect.gather [hbm4b:s3+s8], $0x1, s18, s8, $0xb8;
	[tilespmem:$0x19000] =	vst v63  }
0x21: {  	s19 =	simm.s32 $0xD7A0;
	s20 =	simm.s32 $0xFA0  }
0x22: {  	[tilespmem:s19], [sflag:$0x1] =	stream.indirect.gather [hbm4b:s3+s8], $0x1, s20, s8, $0xb8;
	[tilespmem:$0x19000] =	vst v63  }
0x23: {  	s21 =	simm.s32 $0xD930;
	s22 =	simm.s32 $0x1130  }
0x24: {  	[tilespmem:s21], [sflag:$0x1] =	stream.indirect.gather [hbm4b:s3+s8], $0x1, s22, s8, $0xb8;
	[tilespmem:$0x19000] =	vst v63  }
0x25: {  	s23 =	simm.s32 $0xDAC0;
	s24 =	simm.s32 $0x12C0  }
0x26: {  	[tilespmem:s23], [sflag:$0x1] =	stream.indirect.gather [hbm4b:s3+s8], $0x1, s24, s8, $0xb8;
	[tilespmem:$0x19000] =	vst v63  }
0x27: {  	s25 =	simm.s32 $0xDC50;
	s26 =	simm.s32 $0x1450  }
0x28: {  	[tilespmem:s25], [sflag:$0x1] =	stream.indirect.gather [hbm4b:s3+s8], $0x1, s26, s8, $0xb8;
	[tilespmem:$0x19000] =	vst v63  }
0x29: {  	s28 =	simm.s32 $0xDDE0;
	s29 =	simm.s32 $0x15E0  }
0x2a: {  	[tilespmem:s28], [sflag:$0x1] =	stream.indirect.gather [hbm4b:s3+s8], $0x1, s29, s8, $0xb8;
	[tilespmem:$0x19000] =	vst v63  }
0x2b: {  	s30 =	simm.s32 $0xDF70;
	s31 =	simm.s32 $0x1770  }
0x2c: {  	[tilespmem:s30], [sflag:$0x1] =	stream.indirect.gather [hbm4b:s3+s8], $0x1, s31, s8, $0xb8;
	[tilespmem:$0x19000] =	vst v63  }
0x2d: {  	_ =	swait.ge [sflag:s9], $0x190  }
0x2e: {  	[sflag:s9] =	ssyncset.done $0x0  }
0x2f: {  	[sflag:s9] =	ssyncadd.s32 $0xFFFFFE70  }
0x30: {  	_ =	swait.ge [sflag:s9], $0x190  }
0x31: {  	[sflag:s9] =	ssyncset.done $0x0  }
0x32: {  	[sflag:s9] =	ssyncadd.s32 $0xFFFFFE70  }
0x33: {  	_ =	swait.ge [sflag:s9], $0x190  }
0x34: {  	[sflag:s9] =	ssyncset.done $0x0  }
0x35: {  	[sflag:s9] =	ssyncadd.s32 $0xFFFFFE70  }
0x36: {  	_ =	swait.ge [sflag:s9], $0x190  }
0x37: {  	[sflag:s9] =	ssyncset.done $0x0  }
0x38: {  	[sflag:s9] =	ssyncadd.s32 $0xFFFFFE70  }
0x39: {  	_ =	swait.ge [sflag:s9], $0x190  }
0x3a: {  	[sflag:s9] =	ssyncset.done $0x0  }
0x3b: {  	[sflag:s9] =	ssyncadd.s32 $0xFFFFFE70  }
0x3c: {  	_ =	swait.ge [sflag:s9], $0x190  }
0x3d: {  	[sflag:s9] =	ssyncset.done $0x0  }
0x3e: {  	[sflag:s9] =	ssyncadd.s32 $0xFFFFFE70  }
0x3f: {  	_ =	swait.ge [sflag:s9], $0x190  }
0x40: {  	[sflag:s9] =	ssyncset.done $0x0  }
0x41: {  	[sflag:s9] =	ssyncadd.s32 $0xFFFFFE70  }
0x42: {  	_ =	swait.ge [sflag:s9], $0x190  }
0x43: {  	[sflag:s9] =	ssyncset.done $0x0  }
0x44: {  	[sflag:s9] =	ssyncadd.s32 $0xFFFFFE70  }
0x45: {  	_ =	swait.ge [sflag:s9], $0x190  }
0x46: {  	[sflag:s9] =	ssyncset.done $0x0  }
0x47: {  	[sflag:s9] =	ssyncadd.s32 $0xFFFFFE70  }
0x48: {  	_ =	swait.ge [sflag:s9], $0x190  }
0x49: {  	[sflag:s9] =	ssyncset.done $0x0  }
0x4a: {  	[sflag:s9] =	ssyncadd.s32 $0xFFFFFE70  }
0x4b: {  	_ =	swait.ge [sflag:s9], $0x190  }
0x4c: {  	[sflag:s9] =	ssyncset.done $0x0  }
0x4d: {  	[sflag:s9] =	ssyncadd.s32 $0xFFFFFE70  }
0x4e: {  	_ =	swait.ge [sflag:s9], $0x190  }
0x4f: {  	[sflag:s9] =	ssyncset.done $0x0  }
0x50: {  	[sflag:s9] =	ssyncadd.s32 $0xFFFFFE70  }
0x51: {  	_ =	swait.ge [sflag:s9], $0x190  }
0x52: {  	[sflag:s9] =	ssyncset.done $0x0  }
0x53: {  	[sflag:s9] =	ssyncadd.s32 $0xFFFFFE70  }
0x54: {  	_ =	swait.ge [sflag:s9], $0x190  }
0x55: {  	[sflag:s9] =	ssyncset.done $0x0  }
0x56: {  	[sflag:s9] =	ssyncadd.s32 $0xFFFFFE70  }
0x57: {  	_ =	swait.ge [sflag:s9], $0x190  }
0x58: {  	[sflag:s9] =	ssyncset.done $0x0  }
0x59: {  	[sflag:s9] =	ssyncadd.s32 $0xFFFFFE70  }
0x5a: {  	_ =	swait.ge [sflag:s9], $0x190  }
0x5b: {  	s14 =	simm.s32 $0x1900;
	s15 =	simm.s32 $0xC800;
	[sflag:s9] =	ssyncset.done $0x0  }
.LBB2_2:
0x5c: {  	s16 =	sadd.s32 $0xC800, s14  }
0x5d: {  	[sflag:s9] =	ssyncadd.s32 $0xFFFFFE70;
	s13 =	smov.u32 s15;
	s12 =	sadd.s32 $0x6400, s15  }
0x5e: {  	[tilespmem:s16], [sflag:$0x1] =	stream.indirect.gather [hbm4b:s3+s8], $0x1, s14, s8, $0xb8;
	[tilespmem:$0x19000] =	vst v63  }
0x5f: {  	p0 =	sne.s32 s15, $0x2BC00;
	s15 =	sadd.s32 $0xC990, s14;
	s16 =	sadd.s32 $0x190, s14  }
0x60: {  	[tilespmem:s15], [sflag:$0x1] =	stream.indirect.gather [hbm4b:s3+s8], $0x1, s16, s8, $0xb8;
	[tilespmem:$0x19000] =	vst v63  }
0x61: {  	s15 =	sadd.s32 $0xCB20, s14;
	s16 =	sadd.s32 $0x320, s14  }
0x62: {  	[tilespmem:s15], [sflag:$0x1] =	stream.indirect.gather [hbm4b:s3+s8], $0x1, s16, s8, $0xb8;
	[tilespmem:$0x19000] =	vst v63  }
0x63: {  	s15 =	sadd.s32 $0xCCB0, s14;
	s16 =	sadd.s32 $0x4B0, s14  }
0x64: {  	[tilespmem:s15], [sflag:$0x1] =	stream.indirect.gather [hbm4b:s3+s8], $0x1, s16, s8, $0xb8;
	[tilespmem:$0x19000] =	vst v63  }
0x65: {  	s15 =	sadd.s32 $0xCE40, s14;
	s16 =	sadd.s32 $0x640, s14  }
0x66: {  	[tilespmem:s15], [sflag:$0x1] =	stream.indirect.gather [hbm4b:s3+s8], $0x1, s16, s8, $0xb8;
	[tilespmem:$0x19000] =	vst v63  }
0x67: {  	s15 =	sadd.s32 $0xCFD0, s14;
	s16 =	sadd.s32 $0x7D0, s14  }
0x68: {  	[tilespmem:s15], [sflag:$0x1] =	stream.indirect.gather [hbm4b:s3+s8], $0x1, s16, s8, $0xb8;
	[tilespmem:$0x19000] =	vst v63  }
0x69: {  	s15 =	sadd.s32 $0xD160, s14;
	s16 =	sadd.s32 $0x960, s14  }
0x6a: {  	[tilespmem:s15], [sflag:$0x1] =	stream.indirect.gather [hbm4b:s3+s8], $0x1, s16, s8, $0xb8;
	[tilespmem:$0x19000] =	vst v63  }
0x6b: {  	s15 =	sadd.s32 $0xD2F0, s14;
	s16 =	sadd.s32 $0xAF0, s14  }
0x6c: {  	[tilespmem:s15], [sflag:$0x1] =	stream.indirect.gather [hbm4b:s3+s8], $0x1, s16, s8, $0xb8;
	[tilespmem:$0x19000] =	vst v63  }
0x6d: {  	s15 =	sadd.s32 $0xD480, s14;
	s16 =	sadd.s32 $0xC80, s14  }
0x6e: {  	[tilespmem:s15], [sflag:$0x1] =	stream.indirect.gather [hbm4b:s3+s8], $0x1, s16, s8, $0xb8;
	[tilespmem:$0x19000] =	vst v63  }
0x6f: {  	s15 =	sadd.s32 $0xD610, s14;
	s16 =	sadd.s32 $0xE10, s14  }
0x70: {  	[tilespmem:s15], [sflag:$0x1] =	stream.indirect.gather [hbm4b:s3+s8], $0x1, s16, s8, $0xb8;
	[tilespmem:$0x19000] =	vst v63  }
0x71: {  	s15 =	sadd.s32 $0xD7A0, s14;
	s16 =	sadd.s32 $0xFA0, s14  }
0x72: {  	[tilespmem:s15], [sflag:$0x1] =	stream.indirect.gather [hbm4b:s3+s8], $0x1, s16, s8, $0xb8;
	[tilespmem:$0x19000] =	vst v63  }
0x73: {  	s15 =	sadd.s32 $0xD930, s14;
	s16 =	sadd.s32 $0x1130, s14  }
0x74: {  	[tilespmem:s15], [sflag:$0x1] =	stream.indirect.gather [hbm4b:s3+s8], $0x1, s16, s8, $0xb8;
	[tilespmem:$0x19000] =	vst v63  }
0x75: {  	s15 =	sadd.s32 $0xDAC0, s14;
	s16 =	sadd.s32 $0x12C0, s14  }
0x76: {  	[tilespmem:s15], [sflag:$0x1] =	stream.indirect.gather [hbm4b:s3+s8], $0x1, s16, s8, $0xb8;
	[tilespmem:$0x19000] =	vst v63  }
0x77: {  	s15 =	sadd.s32 $0xDC50, s14;
	s16 =	sadd.s32 $0x1450, s14  }
0x78: {  	[tilespmem:s15], [sflag:$0x1] =	stream.indirect.gather [hbm4b:s3+s8], $0x1, s16, s8, $0xb8;
	[tilespmem:$0x19000] =	vst v63  }
0x79: {  	s15 =	sadd.s32 $0xDDE0, s14;
	s16 =	sadd.s32 $0x15E0, s14  }
0x7a: {  	[tilespmem:s15], [sflag:$0x1] =	stream.indirect.gather [hbm4b:s3+s8], $0x1, s16, s8, $0xb8;
	[tilespmem:$0x19000] =	vst v63  }
0x7b: {  	s15 =	sadd.s32 $0xDF70, s14;
	s14 =	sadd.s32 $0x1770, s14  }
0x7c: {  	[tilespmem:s15], [sflag:$0x1] =	stream.indirect.gather [hbm4b:s3+s8], $0x1, s14, s8, $0xb8;
	[tilespmem:$0x19000] =	vst v63  }
0x7d: {  	_ =	swait.ge [sflag:s9], $0x190  }
0x7e: {  	[sflag:s9] =	ssyncset.done $0x0  }
0x7f: {  	[sflag:s9] =	ssyncadd.s32 $0xFFFFFE70  }
0x80: {  	_ =	swait.ge [sflag:s9], $0x190  }
0x81: {  	[sflag:s9] =	ssyncset.done $0x0  }
0x82: {  	[sflag:s9] =	ssyncadd.s32 $0xFFFFFE70  }
0x83: {  	_ =	swait.ge [sflag:s9], $0x190  }
0x84: {  	[sflag:s9] =	ssyncset.done $0x0  }
0x85: {  	[sflag:s9] =	ssyncadd.s32 $0xFFFFFE70  }
0x86: {  	_ =	swait.ge [sflag:s9], $0x190  }
0x87: {  	[sflag:s9] =	ssyncset.done $0x0  }
0x88: {  	[sflag:s9] =	ssyncadd.s32 $0xFFFFFE70  }
0x89: {  	_ =	swait.ge [sflag:s9], $0x190  }
0x8a: {  	[sflag:s9] =	ssyncset.done $0x0  }
0x8b: {  	[sflag:s9] =	ssyncadd.s32 $0xFFFFFE70  }
0x8c: {  	_ =	swait.ge [sflag:s9], $0x190  }
0x8d: {  	[sflag:s9] =	ssyncset.done $0x0  }
0x8e: {  	[sflag:s9] =	ssyncadd.s32 $0xFFFFFE70  }
0x8f: {  	_ =	swait.ge [sflag:s9], $0x190  }
0x90: {  	[sflag:s9] =	ssyncset.done $0x0  }
0x91: {  	[sflag:s9] =	ssyncadd.s32 $0xFFFFFE70  }
0x92: {  	_ =	swait.ge [sflag:s9], $0x190  }
0x93: {  	[sflag:s9] =	ssyncset.done $0x0  }
0x94: {  	[sflag:s9] =	ssyncadd.s32 $0xFFFFFE70  }
0x95: {  	_ =	swait.ge [sflag:s9], $0x190  }
0x96: {  	[sflag:s9] =	ssyncset.done $0x0  }
0x97: {  	[sflag:s9] =	ssyncadd.s32 $0xFFFFFE70  }
0x98: {  	_ =	swait.ge [sflag:s9], $0x190  }
0x99: {  	[sflag:s9] =	ssyncset.done $0x0  }
0x9a: {  	[sflag:s9] =	ssyncadd.s32 $0xFFFFFE70  }
0x9b: {  	_ =	swait.ge [sflag:s9], $0x190  }
0x9c: {  	[sflag:s9] =	ssyncset.done $0x0  }
0x9d: {  	[sflag:s9] =	ssyncadd.s32 $0xFFFFFE70  }
0x9e: {  	_ =	swait.ge [sflag:s9], $0x190  }
0x9f: {  	[sflag:s9] =	ssyncset.done $0x0  }
0xa0: {  	[sflag:s9] =	ssyncadd.s32 $0xFFFFFE70  }
0xa1: {  	_ =	swait.ge [sflag:s9], $0x190  }
0xa2: {  	[sflag:s9] =	ssyncset.done $0x0  }
0xa3: {  	[sflag:s9] =	ssyncadd.s32 $0xFFFFFE70  }
0xa4: {  	_ =	swait.ge [sflag:s9], $0x190  }
0xa5: {  	[sflag:s9] =	ssyncset.done $0x0  }
0xa6: {  	[sflag:s9] =	ssyncadd.s32 $0xFFFFFE70  }
.Ltmp0:
0xa7: {  	_ =	swait.ge [sflag:s9], $0x190;
	(pc) =	sbr.rel @p0 .LBB2_2-.Ltmp0, $4  }
0xa8: {  	[sflag:s9] =	ssyncset.done $0x0  }
0xa9: {  	[sflag:s9] =	ssyncadd.s32 $0xFFFFFE70  }
0xaa: {  	_ =	swait.ge [sflag:s9], $0x190  }
0xab: {  	s14 =	sshra.s32 s13, $0x2;
	s15 =	smov.u32 s12;
	[sflag:s9] =	ssyncset.done $0x0  }
0xac: {  	s12 =	sadd.s32 $0xC800, s14;
	[sflag:s9] =	ssyncadd.s32 $0xFFFFFE70  }
0xad: {  	[tilespmem:s12], [sflag:$0x1] =	stream.indirect.gather [hbm4b:s3+s8], $0x1, s14, s8, $0xb8;
	[tilespmem:$0x19000] =	vst v63  }
0xae: {  	s18 =	sadd.s32 $0xC990, s14;
	s13 =	sadd.s32 $0x190, s14  }
0xaf: {  	[tilespmem:s18], [sflag:$0x1] =	stream.indirect.gather [hbm4b:s3+s8], $0x1, s13, s8, $0xb8;
	[tilespmem:$0x19000] =	vst v63  }
0xb0: {  	s19 =	sadd.s32 $0xCB20, s14;
	s20 =	sadd.s32 $0x320, s14  }
0xb1: {  	[tilespmem:s19], [sflag:$0x1] =	stream.indirect.gather [hbm4b:s3+s8], $0x1, s20, s8, $0xb8;
	[tilespmem:$0x19000] =	vst v63  }
0xb2: {  	s21 =	sadd.s32 $0xCCB0, s14;
	s22 =	sadd.s32 $0x4B0, s14  }
0xb3: {  	[tilespmem:s21], [sflag:$0x1] =	stream.indirect.gather [hbm4b:s3+s8], $0x1, s22, s8, $0xb8;
	[tilespmem:$0x19000] =	vst v63  }
0xb4: {  	s23 =	sadd.s32 $0xCE40, s14;
	s24 =	sadd.s32 $0x640, s14  }
0xb5: {  	[tilespmem:s23], [sflag:$0x1] =	stream.indirect.gather [hbm4b:s3+s8], $0x1, s24, s8, $0xb8;
	[tilespmem:$0x19000] =	vst v63  }
0xb6: {  	s25 =	sadd.s32 $0xCFD0, s14;
	s26 =	sadd.s32 $0x7D0, s14  }
0xb7: {  	[tilespmem:s25], [sflag:$0x1] =	stream.indirect.gather [hbm4b:s3+s8], $0x1, s26, s8, $0xb8;
	[tilespmem:$0x19000] =	vst v63  }
0xb8: {  	s28 =	sadd.s32 $0xD160, s14;
	s29 =	sadd.s32 $0x960, s14  }
0xb9: {  	[tilespmem:s28], [sflag:$0x1] =	stream.indirect.gather [hbm4b:s3+s8], $0x1, s29, s8, $0xb8;
	[tilespmem:$0x19000] =	vst v63  }
0xba: {  	s30 =	sadd.s32 $0xD2F0, s14;
	s31 =	sadd.s32 $0xAF0, s14  }
0xbb: {  	[tilespmem:s30], [sflag:$0x1] =	stream.indirect.gather [hbm4b:s3+s8], $0x1, s31, s8, $0xb8;
	[tilespmem:$0x19000] =	vst v63  }
0xbc: {  	s15 =	sadd.s32 $0xD480, s14;
	s16 =	sadd.s32 $0xC80, s14  }
0xbd: {  	[tilespmem:s15], [sflag:$0x1] =	stream.indirect.gather [hbm4b:s3+s8], $0x1, s16, s8, $0xb8;
	[tilespmem:$0x19000] =	vst v63  }
0xbe: {  	s17 =	sadd.s32 $0xD610, s14;
	s18 =	sadd.s32 $0xE10, s14  }
0xbf: {  	[tilespmem:s17], [sflag:$0x1] =	stream.indirect.gather [hbm4b:s3+s8], $0x1, s18, s8, $0xb8;
	[tilespmem:$0x19000] =	vst v63  }
0xc0: {  	s19 =	sadd.s32 $0xD7A0, s14;
	s20 =	sadd.s32 $0xFA0, s14  }
0xc1: {  	[tilespmem:s19], [sflag:$0x1] =	stream.indirect.gather [hbm4b:s3+s8], $0x1, s20, s8, $0xb8;
	[tilespmem:$0x19000] =	vst v63  }
0xc2: {  	s21 =	sadd.s32 $0xD930, s14;
	s22 =	sadd.s32 $0x1130, s14  }
0xc3: {  	[tilespmem:s21], [sflag:$0x1] =	stream.indirect.gather [hbm4b:s3+s8], $0x1, s22, s8, $0xb8;
	[tilespmem:$0x19000] =	vst v63  }
0xc4: {  	s23 =	sadd.s32 $0xDAC0, s14;
	s24 =	sadd.s32 $0x12C0, s14  }
0xc5: {  	[tilespmem:s23], [sflag:$0x1] =	stream.indirect.gather [hbm4b:s3+s8], $0x1, s24, s8, $0xb8;
	[tilespmem:$0x19000] =	vst v63  }
0xc6: {  	s25 =	sadd.s32 $0xDC50, s14;
	s26 =	sadd.s32 $0x1450, s14  }
0xc7: {  	[tilespmem:s25], [sflag:$0x1] =	stream.indirect.gather [hbm4b:s3+s8], $0x1, s26, s8, $0xb8;
	[tilespmem:$0x19000] =	vst v63  }
0xc8: {  	s28 =	sadd.s32 $0xDDE0, s14;
	s29 =	sadd.s32 $0x15E0, s14  }
0xc9: {  	[tilespmem:s28], [sflag:$0x1] =	stream.indirect.gather [hbm4b:s3+s8], $0x1, s29, s8, $0xb8;
	[tilespmem:$0x19000] =	vst v63  }
0xca: {  	s30 =	sadd.s32 $0xDF70, s14;
	s31 =	sadd.s32 $0x1770, s14  }
0xcb: {  	[tilespmem:s30], [sflag:$0x1] =	stream.indirect.gather [hbm4b:s3+s8], $0x1, s31, s8, $0xb8;
	[tilespmem:$0x19000] =	vst v63  }
0xcc: {  	_ =	swait.ge [sflag:s9], $0x190  }
0xcd: {  	[sflag:s9] =	ssyncset.done $0x0  }
0xce: {  	[sflag:s9] =	ssyncadd.s32 $0xFFFFFE70  }
0xcf: {  	_ =	swait.ge [sflag:s9], $0x190  }
0xd0: {  	[sflag:s9] =	ssyncset.done $0x0  }
0xd1: {  	[sflag:s9] =	ssyncadd.s32 $0xFFFFFE70  }
0xd2: {  	_ =	swait.ge [sflag:s9], $0x190  }
0xd3: {  	[sflag:s9] =	ssyncset.done $0x0  }
0xd4: {  	[sflag:s9] =	ssyncadd.s32 $0xFFFFFE70  }
0xd5: {  	_ =	swait.ge [sflag:s9], $0x190  }
0xd6: {  	[sflag:s9] =	ssyncset.done $0x0  }
0xd7: {  	[sflag:s9] =	ssyncadd.s32 $0xFFFFFE70  }
0xd8: {  	_ =	swait.ge [sflag:s9], $0x190  }
0xd9: {  	[sflag:s9] =	ssyncset.done $0x0  }
0xda: {  	[sflag:s9] =	ssyncadd.s32 $0xFFFFFE70  }
0xdb: {  	_ =	swait.ge [sflag:s9], $0x190  }
0xdc: {  	[sflag:s9] =	ssyncset.done $0x0  }
0xdd: {  	[sflag:s9] =	ssyncadd.s32 $0xFFFFFE70  }
0xde: {  	_ =	swait.ge [sflag:s9], $0x190  }
0xdf: {  	[sflag:s9] =	ssyncset.done $0x0  }
0xe0: {  	[sflag:s9] =	ssyncadd.s32 $0xFFFFFE70  }
0xe1: {  	_ =	swait.ge [sflag:s9], $0x190  }
0xe2: {  	[sflag:s9] =	ssyncset.done $0x0  }
0xe3: {  	[sflag:s9] =	ssyncadd.s32 $0xFFFFFE70  }
0xe4: {  	_ =	swait.ge [sflag:s9], $0x190  }
0xe5: {  	[sflag:s9] =	ssyncset.done $0x0  }
0xe6: {  	[sflag:s9] =	ssyncadd.s32 $0xFFFFFE70  }
0xe7: {  	_ =	swait.ge [sflag:s9], $0x190  }
0xe8: {  	[sflag:s9] =	ssyncset.done $0x0  }
0xe9: {  	[sflag:s9] =	ssyncadd.s32 $0xFFFFFE70  }
0xea: {  	_ =	swait.ge [sflag:s9], $0x190  }
0xeb: {  	[sflag:s9] =	ssyncset.done $0x0  }
0xec: {  	[sflag:s9] =	ssyncadd.s32 $0xFFFFFE70  }
0xed: {  	_ =	swait.ge [sflag:s9], $0x190  }
0xee: {  	[sflag:s9] =	ssyncset.done $0x0  }
0xef: {  	[sflag:s9] =	ssyncadd.s32 $0xFFFFFE70  }
0xf0: {  	_ =	swait.ge [sflag:s9], $0x190  }
0xf1: {  	[sflag:s9] =	ssyncset.done $0x0  }
0xf2: {  	[sflag:s9] =	ssyncadd.s32 $0xFFFFFE70  }
0xf3: {  	_ =	swait.ge [sflag:s9], $0x190  }
0xf4: {  	[sflag:s9] =	ssyncset.done $0x0  }
0xf5: {  	[sflag:s9] =	ssyncadd.s32 $0xFFFFFE70  }
0xf6: {  	_ =	swait.ge [sflag:s9], $0x190  }
0xf7: {  	[sflag:s9] =	ssyncset.done $0x0  }
0xf8: {  	[sflag:s9] =	ssyncadd.s32 $0xFFFFFE70  }
0xf9: {  	s11 =	sadd.s32 $0x1, s11;
	_ =	swait.ge [sflag:s9], $0x190  }
0xfa: {  	p0 =	sne.s32 s11, s6;
	[sflag:s9] =	ssyncset.done $0x0  }
.Ltmp1:
0xfb: {  	[sflag:s9] =	ssyncadd.s32 $0xFFFFFE70;
	(pc) =	sbr.rel @p0 .LBB2_1-.Ltmp1, $4  }
0xfc: {  	[hbm4b:s5+s2] =	stream.linear.scatter [tilespmem:s10], [sflag:$0x2], $0xC800, $0x38;
	[tilespmem:$0x19000] =	vst v63  }
0xfd: {  	_ =	swait.ge [sflag:s7], $0xC800  }
0xfe: {  	[sflag:s7] =	ssyncset.done $0x0  }
0xff: {  	[sflag:s7] =	ssyncadd.s32 $0xFFFF3800  }
0x100: {  	_ =	sfence.sel $0x180000  }
0x101: {  	[bflag:$0x0] =	sbarrier.arrive $0xFFFF  }
0x102: {  	p0 =	sne.s32 s0, $0x0;
	_ =	strace $0x9000004A  }
0x103: {  	s0 =	sadd.s32 @!p0 $0x100000, s1;
	[bflag:$0x2] =	sbarrier.arrive $0xFFFF  }
0x104: {  	[sflag:s0] =	ssyncadd.tile.s32 @!p0 $0x1;
	_ =	shalt  }
.Lfunc_end2:
_tile_overlayer_lowered:
.L_overlay_start_2:
0x105: {  	(tag) =	ssettag $0x2  }
0x106: {  	s0 =	rddreg [dreg:$0x0];
	s2 =	stileid.u32  }
0x107: {  	s1 =	rddreg [dreg:$0x1];
	p0 =	sne.s32 s2, $0x0  }
0x108: {  	s3 =	rddreg [dreg:$0x2];
	[bflag:$0x3] =	sbarrier.arrive $0xFFFF;
	s2 =	simm.s32 @!p0 $0x1C02  }
0x109: {  	[timem:s3], [sflag:s2] =	dma.local @!p0 [hbm:s0], s1  }
0x10a: {  	s0 =	simm.s32 @!p0 $0x2  }
0x10b: {  	_ =	swait.ge @!p0 [sflag:s0], s1  }
0x10c: {  	s1 =	ssub.s32 @!p0 $0x0, s1;
	[sflag:s0] =	ssyncset.done @!p0 $0x0  }
0x10d: {  	[sflag:s0] =	ssyncadd.s32 @!p0 s1  }
0x10e: {  	[bflag:$0x3] =	sbarrier.arrive $0xFFFF  }
0x10f: {  	_ =	shalt  }

</sc_bundles>
